<compile_context>
chip_gen: v7x
topology: tpu7x:2x2x1
jax: 0.10.2.dev20260603
libtpu: 0.0.44.dev20260713+nightly
codegen_flags: <defaults>
</compile_context>

<pallas_src>
import functools

import jax
import jax.numpy as jnp
from jax import lax
from jax.experimental import pallas as pl
from jax.experimental.pallas import tpu as pltpu
from jax.experimental.pallas import tpu_sc as plsc

_NW = 32
_C = 1024
_NBUF = 2


@functools.lru_cache(maxsize=None)
def _build_gather(n_s, n_b, dim):
    n = n_s * n_b
    n_per_w = n // _NW
    q_per_w = n_per_w // _C
    cps = n_b // _C
    mesh = plsc.VectorSubcoreMesh(core_axis_name="c", subcore_axis_name="s")

    @functools.partial(
        pl.kernel,
        mesh=mesh,
        out_type=jax.ShapeDtypeStruct((n_s, n_b, dim), jnp.float32),
        scratch_types=[
            pltpu.VMEM((n_per_w,), jnp.int32),
            pltpu.VMEM((_NBUF, _C, dim), jnp.float32),
            pltpu.SemaphoreType.DMA((_NBUF,)),
            pltpu.SemaphoreType.DMA((_NBUF,)),
        ],
        compiler_params=pltpu.CompilerParams(use_tc_tiling_on_sc=False),
    )
    def gather_kernel(idx_hbm, table_hbm, out_hbm, idx_v, rows_v, gsem, osem):
        wid = lax.axis_index("s") * 2 + lax.axis_index("c")
        base = wid * n_per_w
        q0 = wid * q_per_w
        pltpu.sync_copy(idx_hbm.at[pl.ds(base, n_per_w)], idx_v)

        def g_desc(g, b):
            return pltpu.make_async_copy(
                table_hbm.at[idx_v.at[pl.ds(g * _C, _C)]],
                rows_v.at[b],
                gsem.at[b],
            )

        def o_desc(g, b):
            q = q0 + g
            return pltpu.make_async_copy(
                rows_v.at[b],
                out_hbm.at[q // cps, pl.ds((q % cps) * _C, _C)],
                osem.at[b],
            )

        for b in range(_NBUF):
            g_desc(b, b).start()

        def body(t, carry):
            for b in range(_NBUF):
                g = t * _NBUF + b
                g_desc(g, b).wait()
                o_desc(g, b).start()
                o_desc(g, b).wait()

                @pl.when(g + _NBUF < q_per_w)
                def _():
                    g_desc(g + _NBUF, b).start()

            return carry

        lax.fori_loop(0, (q_per_w + _NBUF - 1) // _NBUF - 1, body, 0)

        for g in range(_NBUF * ((q_per_w + _NBUF - 1) // _NBUF - 1), q_per_w):
            b = g % _NBUF
            g_desc(g, b).wait()
            o_desc(g, b).start()
            o_desc(g, b).wait()

    return gather_kernel


def kernel(x, planes_weight):
    b, s = x.shape
    _, dim = planes_weight.shape
    idx = x.T.reshape(b * s).astype(jnp.int32)
    out3 = _build_gather(s, b, dim)(idx, planes_weight)
    return out3.transpose(1, 0, 2)

# --- scband reference (transcript-rebuilt; emitter-appended) ---
"""Pipeline reference for scband-plane-registry-12292196401189 (READ-ONLY COPY).

The authoritative reference and input builder live on the scoring server;
editing this copy changes nothing except your own understanding.
"""

import jax, jax.numpy as jnp
import numpy as np

ENTRIES = 1000000
DIM = 32

def setup_inputs(seed: int = 0) -> dict:
    key = jax.random.key(seed)
    k1, k2 = jax.random.split(key)
    x = jax.random.randint(k1, (16384, 50), 0, ENTRIES, dtype=jnp.int64 if jax.config.jax_enable_x64 else jnp.int32)
    # nn.Embedding default init is N(0,1); constructor applies abs_()
    planes_weight = jnp.abs(jax.random.normal(k2, (ENTRIES, DIM), dtype=jnp.float32))
    return {"x": x, "planes_weight": planes_weight}

def reference(x, planes_weight):
    # PlaneRegistry.forward: embedding lookup
    return jnp.take(planes_weight, x, axis=0)

if __name__ == "__main__":
    import jax
    _d = setup_inputs()
    print(jax.jit(kernel)(*tuple(_d.values())))

</pallas_src>

<mosaic_0001>
#map = affine_map<(d0, d1) -> (0)>
#map1 = affine_map<(d0, d1) -> (0, 0)>
#map2 = affine_map<(d0, d1) -> (0, 0, 0)>
module attributes {stable_mosaic.version = 14 : i64} {
  func.func @gather_kernel(%arg0: i32, %arg1: i32, %arg2: memref<819200xi32, #tpu.memory_space<hbm>>, %arg3: memref<1000000x32xf32, #tpu.memory_space<hbm>>, %arg4: memref<50x16384x32xf32, #tpu.memory_space<hbm>>, %arg5: memref<25600xi32, #tpu.memory_space<vmem>>, %arg6: memref<2x1024x32xf32, #tpu.memory_space<vmem>>, %arg7: memref<2x!tpu.dma_semaphore, #tpu.memory_space<semaphore_mem>>, %arg8: memref<2x!tpu.dma_semaphore, #tpu.memory_space<semaphore_mem>>) attributes {dimension_semantics = [#tpu.dimension_semantics<core_parallel>, #tpu.dimension_semantics<subcore_parallel>], iteration_bounds = array<i64: 2, 16>, scalar_prefetch = 0 : i64, scratch_operands = 4 : i64, tpu.core_type = #tpu.core_type<sc_vector_subcore>, window_params = [{transform_indices = #map}, {transform_indices = #map1}, {transform_indices = #map2}]} {
    %mul3A = arith.constant 2 : i32
    %mul3A_0 = arith.muli %arg1, %mul3A : i32
    %add3A = arith.addi %mul3A_0, %arg0 : i32
    %mul3A_1 = arith.constant 25600 : i32
    %mul3A_2 = arith.muli %add3A, %mul3A_1 : i32
    %mul3A_3 = arith.constant 25 : i32
    %mul3A_4 = arith.muli %add3A, %mul3A_3 : i32
    "tpu.region"() ({
      %run_scoped3A = tpu.sem_alloc : memref<!tpu.dma_semaphore, #tpu.memory_space<semaphore_mem>>
      %dma_start3A_161 = tpu.memref_slice %arg2[%mul3A_2] : memref<819200xi32, #tpu.memory_space<hbm>> -> memref<25600xi32, #tpu.memory_space<hbm>>
      %dma_start3A_162 = tpu.memref_slice %arg2[%mul3A_2] : memref<819200xi32, #tpu.memory_space<hbm>> -> memref<25600xi32, #tpu.memory_space<hbm>>
      tpu.enqueue_dma source(%dma_start3A_162 : memref<25600xi32, #tpu.memory_space<hbm>>) target(%arg5 : memref<25600xi32, #tpu.memory_space<vmem>>) target_semaphore(%run_scoped3A : memref<!tpu.dma_semaphore, #tpu.memory_space<semaphore_mem>>)
      %dma_wait3A_163 = tpu.memref_slice %arg2[%mul3A_2] : memref<819200xi32, #tpu.memory_space<hbm>> -> memref<25600xi32, #tpu.memory_space<hbm>>
      %dma_wait3A_164 = tpu.memref_slice %arg2[%mul3A_2] : memref<819200xi32, #tpu.memory_space<hbm>> -> memref<25600xi32, #tpu.memory_space<hbm>>
      tpu.wait_dma2 semaphore(%run_scoped3A : memref<!tpu.dma_semaphore, #tpu.memory_space<semaphore_mem>>) src(%dma_wait3A_164 : memref<25600xi32, #tpu.memory_space<hbm>>) dst(%arg5 : memref<25600xi32, #tpu.memory_space<vmem>>)
      tpu.yield
    }) : () -> ()
    %dma_start3A = arith.constant 0 : i32
    %dma_start3A_5 = arith.constant 0 : i32
    %dma_start3A_6 = arith.constant 0 : i32
    %dma_start3A_7 = arith.constant 0 : i32
    %dma_start3A_8 = tpu.memref_slice %arg6[%dma_start3A, %dma_start3A_6, %dma_start3A_7] : memref<2x1024x32xf32, #tpu.memory_space<vmem>> -> memref<1x1024x32xf32, #tpu.memory_space<vmem>>
    %dma_start3A_9 = tpu.memref_squeeze %dma_start3A_8 : memref<1x1024x32xf32, #tpu.memory_space<vmem>> -> memref<1024x32xf32, #tpu.memory_space<vmem>>
    %dma_start3A_10 = arith.constant 0 : i32
    %dma_start3A_11 = tpu.memref_slice %arg5[%dma_start3A_10] : memref<25600xi32, #tpu.memory_space<vmem>> -> memref<1024xi32, #tpu.memory_space<vmem>>
    %dma_start3A_12 = arith.constant 0 : i32
    %dma_start3A_13 = arith.constant 0 : i32
    %dma_start3A_14 = tpu.memref_slice %arg3[%dma_start3A_12, %dma_start3A_13] : memref<1000000x32xf32, #tpu.memory_space<hbm>> -> memref<1000000x32xf32, #tpu.memory_space<hbm>>
    %dma_start3A_15 = tpu.memref_slice %arg7[%dma_start3A_5] : memref<2x!tpu.dma_semaphore, #tpu.memory_space<semaphore_mem>> -> memref<1x!tpu.dma_semaphore, #tpu.memory_space<semaphore_mem>>
    %dma_start3A_16 = tpu.memref_squeeze %dma_start3A_15 : memref<1x!tpu.dma_semaphore, #tpu.memory_space<semaphore_mem>> -> memref<!tpu.dma_semaphore, #tpu.memory_space<semaphore_mem>>
    tpu.enqueue_indirect_dma source(%dma_start3A_14 : memref<1000000x32xf32, #tpu.memory_space<hbm>>) target(%dma_start3A_9 : memref<1024x32xf32, #tpu.memory_space<vmem>>) offsets(%dma_start3A_11 : memref<1024xi32, #tpu.memory_space<vmem>>) semaphore(%dma_start3A_16 : memref<!tpu.dma_semaphore, #tpu.memory_space<semaphore_mem>>)
    %dma_start3A_17 = arith.constant 1 : i32
    %dma_start3A_18 = arith.constant 1 : i32
    %dma_start3A_19 = arith.constant 0 : i32
    %dma_start3A_20 = arith.constant 0 : i32
    %dma_start3A_21 = tpu.memref_slice %arg6[%dma_start3A_17, %dma_start3A_19, %dma_start3A_20] : memref<2x1024x32xf32, #tpu.memory_space<vmem>> -> memref<1x1024x32xf32, #tpu.memory_space<vmem>>
    %dma_start3A_22 = tpu.memref_squeeze %dma_start3A_21 : memref<1x1024x32xf32, #tpu.memory_space<vmem>> -> memref<1024x32xf32, #tpu.memory_space<vmem>>
    %dma_start3A_23 = arith.constant 1024 : i32
    %dma_start3A_24 = tpu.memref_slice %arg5[%dma_start3A_23] : memref<25600xi32, #tpu.memory_space<vmem>> -> memref<1024xi32, #tpu.memory_space<vmem>>
    %dma_start3A_25 = arith.constant 0 : i32
    %dma_start3A_26 = arith.constant 0 : i32
    %dma_start3A_27 = tpu.memref_slice %arg3[%dma_start3A_25, %dma_start3A_26] : memref<1000000x32xf32, #tpu.memory_space<hbm>> -> memref<1000000x32xf32, #tpu.memory_space<hbm>>
    %dma_start3A_28 = tpu.memref_slice %arg7[%dma_start3A_18] : memref<2x!tpu.dma_semaphore, #tpu.memory_space<semaphore_mem>> -> memref<1x!tpu.dma_semaphore, #tpu.memory_space<semaphore_mem>>
    %dma_start3A_29 = tpu.memref_squeeze %dma_start3A_28 : memref<1x!tpu.dma_semaphore, #tpu.memory_space<semaphore_mem>> -> memref<!tpu.dma_semaphore, #tpu.memory_space<semaphore_mem>>
    tpu.enqueue_indirect_dma source(%dma_start3A_27 : memref<1000000x32xf32, #tpu.memory_space<hbm>>) target(%dma_start3A_22 : memref<1024x32xf32, #tpu.memory_space<vmem>>) offsets(%dma_start3A_24 : memref<1024xi32, #tpu.memory_space<vmem>>) semaphore(%dma_start3A_29 : memref<!tpu.dma_semaphore, #tpu.memory_space<semaphore_mem>>)
    %scan3A = arith.constant 0 : i32
    %scan3A_30 = arith.constant 0 : i32
    %scan3A_31 = arith.constant 12 : i32
    %scan3A_32 = arith.addi %scan3A_30, %scan3A_31 : i32
    %scan3A_33 = arith.constant 1 : i32
    scf.for %scan3A_161 = %scan3A_30 to %scan3A_32 step %scan3A_33  : i32 {
      %mul3A_162 = arith.constant 2 : i32
      %mul3A_163 = arith.muli %scan3A_161, %mul3A_162 : i32
      %add3A_164 = arith.constant 0 : i32
      %add3A_165 = arith.addi %mul3A_163, %add3A_164 : i32
      %mul3A_166 = arith.constant 1024 : i32
      %mul3A_167 = arith.muli %add3A_165, %mul3A_166 : i32
      %dma_wait3A_168 = arith.constant 0 : i32
      %dma_wait3A_169 = arith.constant 0 : i32
      %dma_wait3A_170 = arith.constant 0 : i32
      %dma_wait3A_171 = arith.constant 0 : i32
      %dma_wait3A_172 = tpu.memref_slice %arg6[%dma_wait3A_168, %dma_wait3A_170, %dma_wait3A_171] : memref<2x1024x32xf32, #tpu.memory_space<vmem>> -> memref<1x1024x32xf32, #tpu.memory_space<vmem>>
      %dma_wait3A_173 = tpu.memref_squeeze %dma_wait3A_172 : memref<1x1024x32xf32, #tpu.memory_space<vmem>> -> memref<1024x32xf32, #tpu.memory_space<vmem>>
      %dma_wait3A_174 = tpu.memref_slice %arg5[%mul3A_167] : memref<25600xi32, #tpu.memory_space<vmem>> -> memref<1024xi32, #tpu.memory_space<vmem>>
      %dma_wait3A_175 = arith.constant 0 : i32
      %dma_wait3A_176 = arith.constant 0 : i32
      %dma_wait3A_177 = tpu.memref_slice %arg3[%dma_wait3A_175, %dma_wait3A_176] : memref<1000000x32xf32, #tpu.memory_space<hbm>> -> memref<1000000x32xf32, #tpu.memory_space<hbm>>
      %dma_wait3A_178 = tpu.memref_slice %arg7[%dma_wait3A_169] : memref<2x!tpu.dma_semaphore, #tpu.memory_space<semaphore_mem>> -> memref<1x!tpu.dma_semaphore, #tpu.memory_space<semaphore_mem>>
      %dma_wait3A_179 = tpu.memref_squeeze %dma_wait3A_178 : memref<1x!tpu.dma_semaphore, #tpu.memory_space<semaphore_mem>> -> memref<!tpu.dma_semaphore, #tpu.memory_space<semaphore_mem>>
      tpu.wait_indirect_dma semaphore(%dma_wait3A_179 : memref<!tpu.dma_semaphore, #tpu.memory_space<semaphore_mem>>) src(%dma_wait3A_177 : memref<1000000x32xf32, #tpu.memory_space<hbm>>) dst(%dma_wait3A_173 : memref<1024x32xf32, #tpu.memory_space<vmem>>)
      %add3A_180 = arith.addi %mul3A_4, %add3A_165 : i32
      %jit3A_181 = arith.constant 16 : i32
      %div3A_182 = arith.divsi %add3A_180, %jit3A_181 : i32
      %sign3A_183 = arith.constant 0 : i32
      %sign3A_184 = arith.cmpi sgt, %add3A_180, %sign3A_183 : i32
      %sign3A_185 = arith.extui %sign3A_184 : i1 to i32
      %sign3A_186 = arith.constant 0 : i32
      %sign3A_187 = arith.cmpi slt, %add3A_180, %sign3A_186 : i32
      %sign3A_188 = arith.extui %sign3A_187 : i1 to i32
      %sign3A_189 = arith.subi %sign3A_185, %sign3A_188 : i32
      %sign3A_190 = arith.constant 0 : i32
      %sign3A_191 = arith.cmpi sgt, %jit3A_181, %sign3A_190 : i32
      %sign3A_192 = arith.extui %sign3A_191 : i1 to i32
      %sign3A_193 = arith.constant 0 : i32
      %sign3A_194 = arith.cmpi slt, %jit3A_181, %sign3A_193 : i32
      %sign3A_195 = arith.extui %sign3A_194 : i1 to i32
      %sign3A_196 = arith.subi %sign3A_192, %sign3A_195 : i32
      %ne3A_197 = arith.cmpi ne, %sign3A_189, %sign3A_196 : i32
      %rem3A_198 = arith.remsi %add3A_180, %jit3A_181 : i32
      %ne3A_199 = arith.constant 0 : i32
      %ne3A_200 = arith.cmpi ne, %rem3A_198, %ne3A_199 : i32
      %and3A_201 = arith.andi %ne3A_197, %ne3A_200 : i1
      %sub3A_202 = arith.constant 1 : i32
      %sub3A_203 = arith.subi %div3A_182, %sub3A_202 : i32
      %select_n3A_204 = arith.select %and3A_201, %sub3A_203, %div3A_182 : i32
      %jit3A_205 = arith.constant 16 : i32
      %eq3A_206 = arith.constant 0 : i32
      %eq3A_207 = arith.cmpi eq, %jit3A_205, %eq3A_206 : i32
      %jit3A_208 = arith.constant 1 : i32
      %select_n3A_209 = arith.select %eq3A_207, %jit3A_208, %jit3A_205 : i32
      %rem3A_210 = arith.remsi %add3A_180, %select_n3A_209 : i32
      %ne3A_211 = arith.constant 0 : i32
      %ne3A_212 = arith.cmpi ne, %rem3A_210, %ne3A_211 : i32
      %lt3A_213 = arith.constant 0 : i32
      %lt3A_214 = arith.cmpi slt, %rem3A_210, %lt3A_213 : i32
      %lt3A_215 = arith.constant 0 : i32
      %lt3A_216 = arith.cmpi slt, %select_n3A_209, %lt3A_215 : i32
      %ne3A_217 = arith.xori %lt3A_214, %lt3A_216 : i1
      %and3A_218 = arith.andi %ne3A_217, %ne3A_212 : i1
      %add3A_219 = arith.addi %rem3A_210, %select_n3A_209 : i32
      %select_n3A_220 = arith.select %and3A_218, %add3A_219, %rem3A_210 : i32
      %mul3A_221 = arith.constant 1024 : i32
      %mul3A_222 = arith.muli %select_n3A_220, %mul3A_221 : i32
      %dma_start3A_223 = arith.constant 0 : i32
      %dma_start3A_224 = arith.constant 0 : i32
      %dma_start3A_225 = arith.constant 0 : i32
      %dma_start3A_226 = arith.constant 0 : i32
      %dma_start3A_227 = tpu.memref_slice %arg6[%dma_start3A_223, %dma_start3A_225, %dma_start3A_226] : memref<2x1024x32xf32, #tpu.memory_space<vmem>> -> memref<1x1024x32xf32, #tpu.memory_space<vmem>>
      %dma_start3A_228 = tpu.memref_squeeze %dma_start3A_227 : memref<1x1024x32xf32, #tpu.memory_space<vmem>> -> memref<1024x32xf32, #tpu.memory_space<vmem>>
      %dma_start3A_229 = arith.constant 0 : i32
      %dma_start3A_230 = tpu.memref_slice %arg4[%select_n3A_204, %mul3A_222, %dma_start3A_229] : memref<50x16384x32xf32, #tpu.memory_space<hbm>> -> memref<1x1024x32xf32, #tpu.memory_space<hbm>>
      %dma_start3A_231 = tpu.memref_squeeze %dma_start3A_230 : memref<1x1024x32xf32, #tpu.memory_space<hbm>> -> memref<1024x32xf32, #tpu.memory_space<hbm>>
      %dma_start3A_232 = tpu.memref_slice %arg8[%dma_start3A_224] : memref<2x!tpu.dma_semaphore, #tpu.memory_space<semaphore_mem>> -> memref<1x!tpu.dma_semaphore, #tpu.memory_space<semaphore_mem>>
      %dma_start3A_233 = tpu.memref_squeeze %dma_start3A_232 : memref<1x!tpu.dma_semaphore, #tpu.memory_space<semaphore_mem>> -> memref<!tpu.dma_semaphore, #tpu.memory_space<semaphore_mem>>
      %dma_start3A_234 = arith.constant 0 : i32
      %dma_start3A_235 = tpu.memref_slice %arg4[%select_n3A_204, %mul3A_222, %dma_start3A_234] : memref<50x16384x32xf32, #tpu.memory_space<hbm>> -> memref<1x1024x32xf32, #tpu.memory_space<hbm>>
      %dma_start3A_236 = tpu.memref_squeeze %dma_start3A_235 : memref<1x1024x32xf32, #tpu.memory_space<hbm>> -> memref<1024x32xf32, #tpu.memory_space<hbm>>
      %dma_start3A_237 = arith.constant 0 : i32
      %dma_start3A_238 = arith.constant 0 : i32
      %dma_start3A_239 = tpu.memref_slice %arg6[%dma_start3A_223, %dma_start3A_237, %dma_start3A_238] : memref<2x1024x32xf32, #tpu.memory_space<vmem>> -> memref<1x1024x32xf32, #tpu.memory_space<vmem>>
      %dma_start3A_240 = tpu.memref_squeeze %dma_start3A_239 : memref<1x1024x32xf32, #tpu.memory_space<vmem>> -> memref<1024x32xf32, #tpu.memory_space<vmem>>
      tpu.enqueue_dma source(%dma_start3A_240 : memref<1024x32xf32, #tpu.memory_space<vmem>>) target(%dma_start3A_236 : memref<1024x32xf32, #tpu.memory_space<hbm>>) target_semaphore(%dma_start3A_233 : memref<!tpu.dma_semaphore, #tpu.memory_space<semaphore_mem>>)
      %add3A_241 = arith.addi %mul3A_4, %add3A_165 : i32
      %jit3A_242 = arith.constant 16 : i32
      %div3A_243 = arith.divsi %add3A_241, %jit3A_242 : i32
      %sign3A_244 = arith.constant 0 : i32
      %sign3A_245 = arith.cmpi sgt, %add3A_241, %sign3A_244 : i32
      %sign3A_246 = arith.extui %sign3A_245 : i1 to i32
      %sign3A_247 = arith.constant 0 : i32
      %sign3A_248 = arith.cmpi slt, %add3A_241, %sign3A_247 : i32
      %sign3A_249 = arith.extui %sign3A_248 : i1 to i32
      %sign3A_250 = arith.subi %sign3A_246, %sign3A_249 : i32
      %sign3A_251 = arith.constant 0 : i32
      %sign3A_252 = arith.cmpi sgt, %jit3A_242, %sign3A_251 : i32
      %sign3A_253 = arith.extui %sign3A_252 : i1 to i32
      %sign3A_254 = arith.constant 0 : i32
      %sign3A_255 = arith.cmpi slt, %jit3A_242, %sign3A_254 : i32
      %sign3A_256 = arith.extui %sign3A_255 : i1 to i32
      %sign3A_257 = arith.subi %sign3A_253, %sign3A_256 : i32
      %ne3A_258 = arith.cmpi ne, %sign3A_250, %sign3A_257 : i32
      %rem3A_259 = arith.remsi %add3A_241, %jit3A_242 : i32
      %ne3A_260 = arith.constant 0 : i32
      %ne3A_261 = arith.cmpi ne, %rem3A_259, %ne3A_260 : i32
      %and3A_262 = arith.andi %ne3A_258, %ne3A_261 : i1
      %sub3A_263 = arith.constant 1 : i32
      %sub3A_264 = arith.subi %div3A_243, %sub3A_263 : i32
      %select_n3A_265 = arith.select %and3A_262, %sub3A_264, %div3A_243 : i32
      %jit3A_266 = arith.constant 16 : i32
      %eq3A_267 = arith.constant 0 : i32
      %eq3A_268 = arith.cmpi eq, %jit3A_266, %eq3A_267 : i32
      %jit3A_269 = arith.constant 1 : i32
      %select_n3A_270 = arith.select %eq3A_268, %jit3A_269, %jit3A_266 : i32
      %rem3A_271 = arith.remsi %add3A_241, %select_n3A_270 : i32
      %ne3A_272 = arith.constant 0 : i32
      %ne3A_273 = arith.cmpi ne, %rem3A_271, %ne3A_272 : i32
      %lt3A_274 = arith.constant 0 : i32
      %lt3A_275 = arith.cmpi slt, %rem3A_271, %lt3A_274 : i32
      %lt3A_276 = arith.constant 0 : i32
      %lt3A_277 = arith.cmpi slt, %select_n3A_270, %lt3A_276 : i32
      %ne3A_278 = arith.xori %lt3A_275, %lt3A_277 : i1
      %and3A_279 = arith.andi %ne3A_278, %ne3A_273 : i1
      %add3A_280 = arith.addi %rem3A_271, %select_n3A_270 : i32
      %select_n3A_281 = arith.select %and3A_279, %add3A_280, %rem3A_271 : i32
      %mul3A_282 = arith.constant 1024 : i32
      %mul3A_283 = arith.muli %select_n3A_281, %mul3A_282 : i32
      %dma_wait3A_284 = arith.constant 0 : i32
      %dma_wait3A_285 = arith.constant 0 : i32
      %dma_wait3A_286 = arith.constant 0 : i32
      %dma_wait3A_287 = arith.constant 0 : i32
      %dma_wait3A_288 = tpu.memref_slice %arg6[%dma_wait3A_284, %dma_wait3A_286, %dma_wait3A_287] : memref<2x1024x32xf32, #tpu.memory_space<vmem>> -> memref<1x1024x32xf32, #tpu.memory_space<vmem>>
      %dma_wait3A_289 = tpu.memref_squeeze %dma_wait3A_288 : memref<1x1024x32xf32, #tpu.memory_space<vmem>> -> memref<1024x32xf32, #tpu.memory_space<vmem>>
      %dma_wait3A_290 = arith.constant 0 : i32
      %dma_wait3A_291 = tpu.memref_slice %arg4[%select_n3A_265, %mul3A_283, %dma_wait3A_290] : memref<50x16384x32xf32, #tpu.memory_space<hbm>> -> memref<1x1024x32xf32, #tpu.memory_space<hbm>>
      %dma_wait3A_292 = tpu.memref_squeeze %dma_wait3A_291 : memref<1x1024x32xf32, #tpu.memory_space<hbm>> -> memref<1024x32xf32, #tpu.memory_space<hbm>>
      %dma_wait3A_293 = tpu.memref_slice %arg8[%dma_wait3A_285] : memref<2x!tpu.dma_semaphore, #tpu.memory_space<semaphore_mem>> -> memref<1x!tpu.dma_semaphore, #tpu.memory_space<semaphore_mem>>
      %dma_wait3A_294 = tpu.memref_squeeze %dma_wait3A_293 : memref<1x!tpu.dma_semaphore, #tpu.memory_space<semaphore_mem>> -> memref<!tpu.dma_semaphore, #tpu.memory_space<semaphore_mem>>
      %dma_wait3A_295 = arith.constant 0 : i32
      %dma_wait3A_296 = tpu.memref_slice %arg4[%select_n3A_265, %mul3A_283, %dma_wait3A_295] : memref<50x16384x32xf32, #tpu.memory_space<hbm>> -> memref<1x1024x32xf32, #tpu.memory_space<hbm>>
      %dma_wait3A_297 = tpu.memref_squeeze %dma_wait3A_296 : memref<1x1024x32xf32, #tpu.memory_space<hbm>> -> memref<1024x32xf32, #tpu.memory_space<hbm>>
      %dma_wait3A_298 = arith.constant 0 : i32
      %dma_wait3A_299 = arith.constant 0 : i32
      %dma_wait3A_300 = tpu.memref_slice %arg6[%dma_wait3A_284, %dma_wait3A_298, %dma_wait3A_299] : memref<2x1024x32xf32, #tpu.memory_space<vmem>> -> memref<1x1024x32xf32, #tpu.memory_space<vmem>>
      %dma_wait3A_301 = tpu.memref_squeeze %dma_wait3A_300 : memref<1x1024x32xf32, #tpu.memory_space<vmem>> -> memref<1024x32xf32, #tpu.memory_space<vmem>>
      tpu.wait_dma2 semaphore(%dma_wait3A_294 : memref<!tpu.dma_semaphore, #tpu.memory_space<semaphore_mem>>) src(%dma_wait3A_301 : memref<1024x32xf32, #tpu.memory_space<vmem>>) dst(%dma_wait3A_297 : memref<1024x32xf32, #tpu.memory_space<hbm>>)
      %add3A_302 = arith.constant 2 : i32
      %add3A_303 = arith.addi %add3A_165, %add3A_302 : i32
      %lt3A_304 = arith.constant 25 : i32
      %lt3A_305 = arith.cmpi slt, %add3A_303, %lt3A_304 : i32
      %convert_element_type3A = arith.extui %lt3A_305 : i1 to i32
      %cond3A = arith.constant 0 : i32
      %cond3A_306 = arith.cmpi ne, %convert_element_type3A, %cond3A : i32
      scf.if %cond3A_306 {
        %add3A_454 = arith.constant 2 : i32
        %add3A_455 = arith.addi %add3A_165, %add3A_454 : i32
        %mul3A_456 = arith.constant 1024 : i32
        %mul3A_457 = arith.muli %add3A_455, %mul3A_456 : i32
        %dma_start3A_458 = arith.constant 0 : i32
        %dma_start3A_459 = arith.constant 0 : i32
        %dma_start3A_460 = arith.constant 0 : i32
        %dma_start3A_461 = arith.constant 0 : i32
        %dma_start3A_462 = tpu.memref_slice %arg6[%dma_start3A_458, %dma_start3A_460, %dma_start3A_461] : memref<2x1024x32xf32, #tpu.memory_space<vmem>> -> memref<1x1024x32xf32, #tpu.memory_space<vmem>>
        %dma_start3A_463 = tpu.memref_squeeze %dma_start3A_462 : memref<1x1024x32xf32, #tpu.memory_space<vmem>> -> memref<1024x32xf32, #tpu.memory_space<vmem>>
        %dma_start3A_464 = tpu.memref_slice %arg5[%mul3A_457] : memref<25600xi32, #tpu.memory_space<vmem>> -> memref<1024xi32, #tpu.memory_space<vmem>>
        %dma_start3A_465 = arith.constant 0 : i32
        %dma_start3A_466 = arith.constant 0 : i32
        %dma_start3A_467 = tpu.memref_slice %arg3[%dma_start3A_465, %dma_start3A_466] : memref<1000000x32xf32, #tpu.memory_space<hbm>> -> memref<1000000x32xf32, #tpu.memory_space<hbm>>
        %dma_start3A_468 = tpu.memref_slice %arg7[%dma_start3A_459] : memref<2x!tpu.dma_semaphore, #tpu.memory_space<semaphore_mem>> -> memref<1x!tpu.dma_semaphore, #tpu.memory_space<semaphore_mem>>
        %dma_start3A_469 = tpu.memref_squeeze %dma_start3A_468 : memref<1x!tpu.dma_semaphore, #tpu.memory_space<semaphore_mem>> -> memref<!tpu.dma_semaphore, #tpu.memory_space<semaphore_mem>>
        tpu.enqueue_indirect_dma source(%dma_start3A_467 : memref<1000000x32xf32, #tpu.memory_space<hbm>>) target(%dma_start3A_463 : memref<1024x32xf32, #tpu.memory_space<vmem>>) offsets(%dma_start3A_464 : memref<1024xi32, #tpu.memory_space<vmem>>) semaphore(%dma_start3A_469 : memref<!tpu.dma_semaphore, #tpu.memory_space<semaphore_mem>>)
      } else {
      }
      %mul3A_307 = arith.constant 2 : i32
      %mul3A_308 = arith.muli %scan3A_161, %mul3A_307 : i32
      %add3A_309 = arith.constant 1 : i32
      %add3A_310 = arith.addi %mul3A_308, %add3A_309 : i32
      %mul3A_311 = arith.constant 1024 : i32
      %mul3A_312 = arith.muli %add3A_310, %mul3A_311 : i32
      %dma_wait3A_313 = arith.constant 1 : i32
      %dma_wait3A_314 = arith.constant 1 : i32
      %dma_wait3A_315 = arith.constant 0 : i32
      %dma_wait3A_316 = arith.constant 0 : i32
      %dma_wait3A_317 = tpu.memref_slice %arg6[%dma_wait3A_313, %dma_wait3A_315, %dma_wait3A_316] : memref<2x1024x32xf32, #tpu.memory_space<vmem>> -> memref<1x1024x32xf32, #tpu.memory_space<vmem>>
      %dma_wait3A_318 = tpu.memref_squeeze %dma_wait3A_317 : memref<1x1024x32xf32, #tpu.memory_space<vmem>> -> memref<1024x32xf32, #tpu.memory_space<vmem>>
      %dma_wait3A_319 = tpu.memref_slice %arg5[%mul3A_312] : memref<25600xi32, #tpu.memory_space<vmem>> -> memref<1024xi32, #tpu.memory_space<vmem>>
      %dma_wait3A_320 = arith.constant 0 : i32
      %dma_wait3A_321 = arith.constant 0 : i32
      %dma_wait3A_322 = tpu.memref_slice %arg3[%dma_wait3A_320, %dma_wait3A_321] : memref<1000000x32xf32, #tpu.memory_space<hbm>> -> memref<1000000x32xf32, #tpu.memory_space<hbm>>
      %dma_wait3A_323 = tpu.memref_slice %arg7[%dma_wait3A_314] : memref<2x!tpu.dma_semaphore, #tpu.memory_space<semaphore_mem>> -> memref<1x!tpu.dma_semaphore, #tpu.memory_space<semaphore_mem>>
      %dma_wait3A_324 = tpu.memref_squeeze %dma_wait3A_323 : memref<1x!tpu.dma_semaphore, #tpu.memory_space<semaphore_mem>> -> memref<!tpu.dma_semaphore, #tpu.memory_space<semaphore_mem>>
      tpu.wait_indirect_dma semaphore(%dma_wait3A_324 : memref<!tpu.dma_semaphore, #tpu.memory_space<semaphore_mem>>) src(%dma_wait3A_322 : memref<1000000x32xf32, #tpu.memory_space<hbm>>) dst(%dma_wait3A_318 : memref<1024x32xf32, #tpu.memory_space<vmem>>)
      %add3A_325 = arith.addi %mul3A_4, %add3A_310 : i32
      %jit3A_326 = arith.constant 16 : i32
      %div3A_327 = arith.divsi %add3A_325, %jit3A_326 : i32
      %sign3A_328 = arith.constant 0 : i32
      %sign3A_329 = arith.cmpi sgt, %add3A_325, %sign3A_328 : i32
      %sign3A_330 = arith.extui %sign3A_329 : i1 to i32
      %sign3A_331 = arith.constant 0 : i32
      %sign3A_332 = arith.cmpi slt, %add3A_325, %sign3A_331 : i32
      %sign3A_333 = arith.extui %sign3A_332 : i1 to i32
      %sign3A_334 = arith.subi %sign3A_330, %sign3A_333 : i32
      %sign3A_335 = arith.constant 0 : i32
      %sign3A_336 = arith.cmpi sgt, %jit3A_326, %sign3A_335 : i32
      %sign3A_337 = arith.extui %sign3A_336 : i1 to i32
      %sign3A_338 = arith.constant 0 : i32
      %sign3A_339 = arith.cmpi slt, %jit3A_326, %sign3A_338 : i32
      %sign3A_340 = arith.extui %sign3A_339 : i1 to i32
      %sign3A_341 = arith.subi %sign3A_337, %sign3A_340 : i32
      %ne3A_342 = arith.cmpi ne, %sign3A_334, %sign3A_341 : i32
      %rem3A_343 = arith.remsi %add3A_325, %jit3A_326 : i32
      %ne3A_344 = arith.constant 0 : i32
      %ne3A_345 = arith.cmpi ne, %rem3A_343, %ne3A_344 : i32
      %and3A_346 = arith.andi %ne3A_342, %ne3A_345 : i1
      %sub3A_347 = arith.constant 1 : i32
      %sub3A_348 = arith.subi %div3A_327, %sub3A_347 : i32
      %select_n3A_349 = arith.select %and3A_346, %sub3A_348, %div3A_327 : i32
      %jit3A_350 = arith.constant 16 : i32
      %eq3A_351 = arith.constant 0 : i32
      %eq3A_352 = arith.cmpi eq, %jit3A_350, %eq3A_351 : i32
      %jit3A_353 = arith.constant 1 : i32
      %select_n3A_354 = arith.select %eq3A_352, %jit3A_353, %jit3A_350 : i32
      %rem3A_355 = arith.remsi %add3A_325, %select_n3A_354 : i32
      %ne3A_356 = arith.constant 0 : i32
      %ne3A_357 = arith.cmpi ne, %rem3A_355, %ne3A_356 : i32
      %lt3A_358 = arith.constant 0 : i32
      %lt3A_359 = arith.cmpi slt, %rem3A_355, %lt3A_358 : i32
      %lt3A_360 = arith.constant 0 : i32
      %lt3A_361 = arith.cmpi slt, %select_n3A_354, %lt3A_360 : i32
      %ne3A_362 = arith.xori %lt3A_359, %lt3A_361 : i1
      %and3A_363 = arith.andi %ne3A_362, %ne3A_357 : i1
      %add3A_364 = arith.addi %rem3A_355, %select_n3A_354 : i32
      %select_n3A_365 = arith.select %and3A_363, %add3A_364, %rem3A_355 : i32
      %mul3A_366 = arith.constant 1024 : i32
      %mul3A_367 = arith.muli %select_n3A_365, %mul3A_366 : i32
      %dma_start3A_368 = arith.constant 1 : i32
      %dma_start3A_369 = arith.constant 1 : i32
      %dma_start3A_370 = arith.constant 0 : i32
      %dma_start3A_371 = arith.constant 0 : i32
      %dma_start3A_372 = tpu.memref_slice %arg6[%dma_start3A_368, %dma_start3A_370, %dma_start3A_371] : memref<2x1024x32xf32, #tpu.memory_space<vmem>> -> memref<1x1024x32xf32, #tpu.memory_space<vmem>>
      %dma_start3A_373 = tpu.memref_squeeze %dma_start3A_372 : memref<1x1024x32xf32, #tpu.memory_space<vmem>> -> memref<1024x32xf32, #tpu.memory_space<vmem>>
      %dma_start3A_374 = arith.constant 0 : i32
      %dma_start3A_375 = tpu.memref_slice %arg4[%select_n3A_349, %mul3A_367, %dma_start3A_374] : memref<50x16384x32xf32, #tpu.memory_space<hbm>> -> memref<1x1024x32xf32, #tpu.memory_space<hbm>>
      %dma_start3A_376 = tpu.memref_squeeze %dma_start3A_375 : memref<1x1024x32xf32, #tpu.memory_space<hbm>> -> memref<1024x32xf32, #tpu.memory_space<hbm>>
      %dma_start3A_377 = tpu.memref_slice %arg8[%dma_start3A_369] : memref<2x!tpu.dma_semaphore, #tpu.memory_space<semaphore_mem>> -> memref<1x!tpu.dma_semaphore, #tpu.memory_space<semaphore_mem>>
      %dma_start3A_378 = tpu.memref_squeeze %dma_start3A_377 : memref<1x!tpu.dma_semaphore, #tpu.memory_space<semaphore_mem>> -> memref<!tpu.dma_semaphore, #tpu.memory_space<semaphore_mem>>
      %dma_start3A_379 = arith.constant 0 : i32
      %dma_start3A_380 = tpu.memref_slice %arg4[%select_n3A_349, %mul3A_367, %dma_start3A_379] : memref<50x16384x32xf32, #tpu.memory_space<hbm>> -> memref<1x1024x32xf32, #tpu.memory_space<hbm>>
      %dma_start3A_381 = tpu.memref_squeeze %dma_start3A_380 : memref<1x1024x32xf32, #tpu.memory_space<hbm>> -> memref<1024x32xf32, #tpu.memory_space<hbm>>
      %dma_start3A_382 = arith.constant 0 : i32
      %dma_start3A_383 = arith.constant 0 : i32
      %dma_start3A_384 = tpu.memref_slice %arg6[%dma_start3A_368, %dma_start3A_382, %dma_start3A_383] : memref<2x1024x32xf32, #tpu.memory_space<vmem>> -> memref<1x1024x32xf32, #tpu.memory_space<vmem>>
      %dma_start3A_385 = tpu.memref_squeeze %dma_start3A_384 : memref<1x1024x32xf32, #tpu.memory_space<vmem>> -> memref<1024x32xf32, #tpu.memory_space<vmem>>
      tpu.enqueue_dma source(%dma_start3A_385 : memref<1024x32xf32, #tpu.memory_space<vmem>>) target(%dma_start3A_381 : memref<1024x32xf32, #tpu.memory_space<hbm>>) target_semaphore(%dma_start3A_378 : memref<!tpu.dma_semaphore, #tpu.memory_space<semaphore_mem>>)
      %add3A_386 = arith.addi %mul3A_4, %add3A_310 : i32
      %jit3A_387 = arith.constant 16 : i32
      %div3A_388 = arith.divsi %add3A_386, %jit3A_387 : i32
      %sign3A_389 = arith.constant 0 : i32
      %sign3A_390 = arith.cmpi sgt, %add3A_386, %sign3A_389 : i32
      %sign3A_391 = arith.extui %sign3A_390 : i1 to i32
      %sign3A_392 = arith.constant 0 : i32
      %sign3A_393 = arith.cmpi slt, %add3A_386, %sign3A_392 : i32
      %sign3A_394 = arith.extui %sign3A_393 : i1 to i32
      %sign3A_395 = arith.subi %sign3A_391, %sign3A_394 : i32
      %sign3A_396 = arith.constant 0 : i32
      %sign3A_397 = arith.cmpi sgt, %jit3A_387, %sign3A_396 : i32
      %sign3A_398 = arith.extui %sign3A_397 : i1 to i32
      %sign3A_399 = arith.constant 0 : i32
      %sign3A_400 = arith.cmpi slt, %jit3A_387, %sign3A_399 : i32
      %sign3A_401 = arith.extui %sign3A_400 : i1 to i32
      %sign3A_402 = arith.subi %sign3A_398, %sign3A_401 : i32
      %ne3A_403 = arith.cmpi ne, %sign3A_395, %sign3A_402 : i32
      %rem3A_404 = arith.remsi %add3A_386, %jit3A_387 : i32
      %ne3A_405 = arith.constant 0 : i32
      %ne3A_406 = arith.cmpi ne, %rem3A_404, %ne3A_405 : i32
      %and3A_407 = arith.andi %ne3A_403, %ne3A_406 : i1
      %sub3A_408 = arith.constant 1 : i32
      %sub3A_409 = arith.subi %div3A_388, %sub3A_408 : i32
      %select_n3A_410 = arith.select %and3A_407, %sub3A_409, %div3A_388 : i32
      %jit3A_411 = arith.constant 16 : i32
      %eq3A_412 = arith.constant 0 : i32
      %eq3A_413 = arith.cmpi eq, %jit3A_411, %eq3A_412 : i32
      %jit3A_414 = arith.constant 1 : i32
      %select_n3A_415 = arith.select %eq3A_413, %jit3A_414, %jit3A_411 : i32
      %rem3A_416 = arith.remsi %add3A_386, %select_n3A_415 : i32
      %ne3A_417 = arith.constant 0 : i32
      %ne3A_418 = arith.cmpi ne, %rem3A_416, %ne3A_417 : i32
      %lt3A_419 = arith.constant 0 : i32
      %lt3A_420 = arith.cmpi slt, %rem3A_416, %lt3A_419 : i32
      %lt3A_421 = arith.constant 0 : i32
      %lt3A_422 = arith.cmpi slt, %select_n3A_415, %lt3A_421 : i32
      %ne3A_423 = arith.xori %lt3A_420, %lt3A_422 : i1
      %and3A_424 = arith.andi %ne3A_423, %ne3A_418 : i1
      %add3A_425 = arith.addi %rem3A_416, %select_n3A_415 : i32
      %select_n3A_426 = arith.select %and3A_424, %add3A_425, %rem3A_416 : i32
      %mul3A_427 = arith.constant 1024 : i32
      %mul3A_428 = arith.muli %select_n3A_426, %mul3A_427 : i32
      %dma_wait3A_429 = arith.constant 1 : i32
      %dma_wait3A_430 = arith.constant 1 : i32
      %dma_wait3A_431 = arith.constant 0 : i32
      %dma_wait3A_432 = arith.constant 0 : i32
      %dma_wait3A_433 = tpu.memref_slice %arg6[%dma_wait3A_429, %dma_wait3A_431, %dma_wait3A_432] : memref<2x1024x32xf32, #tpu.memory_space<vmem>> -> memref<1x1024x32xf32, #tpu.memory_space<vmem>>
      %dma_wait3A_434 = tpu.memref_squeeze %dma_wait3A_433 : memref<1x1024x32xf32, #tpu.memory_space<vmem>> -> memref<1024x32xf32, #tpu.memory_space<vmem>>
      %dma_wait3A_435 = arith.constant 0 : i32
      %dma_wait3A_436 = tpu.memref_slice %arg4[%select_n3A_410, %mul3A_428, %dma_wait3A_435] : memref<50x16384x32xf32, #tpu.memory_space<hbm>> -> memref<1x1024x32xf32, #tpu.memory_space<hbm>>
      %dma_wait3A_437 = tpu.memref_squeeze %dma_wait3A_436 : memref<1x1024x32xf32, #tpu.memory_space<hbm>> -> memref<1024x32xf32, #tpu.memory_space<hbm>>
      %dma_wait3A_438 = tpu.memref_slice %arg8[%dma_wait3A_430] : memref<2x!tpu.dma_semaphore, #tpu.memory_space<semaphore_mem>> -> memref<1x!tpu.dma_semaphore, #tpu.memory_space<semaphore_mem>>
      %dma_wait3A_439 = tpu.memref_squeeze %dma_wait3A_438 : memref<1x!tpu.dma_semaphore, #tpu.memory_space<semaphore_mem>> -> memref<!tpu.dma_semaphore, #tpu.memory_space<semaphore_mem>>
      %dma_wait3A_440 = arith.constant 0 : i32
      %dma_wait3A_441 = tpu.memref_slice %arg4[%select_n3A_410, %mul3A_428, %dma_wait3A_440] : memref<50x16384x32xf32, #tpu.memory_space<hbm>> -> memref<1x1024x32xf32, #tpu.memory_space<hbm>>
      %dma_wait3A_442 = tpu.memref_squeeze %dma_wait3A_441 : memref<1x1024x32xf32, #tpu.memory_space<hbm>> -> memref<1024x32xf32, #tpu.memory_space<hbm>>
      %dma_wait3A_443 = arith.constant 0 : i32
      %dma_wait3A_444 = arith.constant 0 : i32
      %dma_wait3A_445 = tpu.memref_slice %arg6[%dma_wait3A_429, %dma_wait3A_443, %dma_wait3A_444] : memref<2x1024x32xf32, #tpu.memory_space<vmem>> -> memref<1x1024x32xf32, #tpu.memory_space<vmem>>
      %dma_wait3A_446 = tpu.memref_squeeze %dma_wait3A_445 : memref<1x1024x32xf32, #tpu.memory_space<vmem>> -> memref<1024x32xf32, #tpu.memory_space<vmem>>
      tpu.wait_dma2 semaphore(%dma_wait3A_439 : memref<!tpu.dma_semaphore, #tpu.memory_space<semaphore_mem>>) src(%dma_wait3A_446 : memref<1024x32xf32, #tpu.memory_space<vmem>>) dst(%dma_wait3A_442 : memref<1024x32xf32, #tpu.memory_space<hbm>>)
      %add3A_447 = arith.constant 2 : i32
      %add3A_448 = arith.addi %add3A_310, %add3A_447 : i32
      %lt3A_449 = arith.constant 25 : i32
      %lt3A_450 = arith.cmpi slt, %add3A_448, %lt3A_449 : i32
      %convert_element_type3A_451 = arith.extui %lt3A_450 : i1 to i32
      %cond3A_452 = arith.constant 0 : i32
      %cond3A_453 = arith.cmpi ne, %convert_element_type3A_451, %cond3A_452 : i32
      scf.if %cond3A_453 {
        %add3A_454 = arith.constant 2 : i32
        %add3A_455 = arith.addi %add3A_310, %add3A_454 : i32
        %mul3A_456 = arith.constant 1024 : i32
        %mul3A_457 = arith.muli %add3A_455, %mul3A_456 : i32
        %dma_start3A_458 = arith.constant 1 : i32
        %dma_start3A_459 = arith.constant 1 : i32
        %dma_start3A_460 = arith.constant 0 : i32
        %dma_start3A_461 = arith.constant 0 : i32
        %dma_start3A_462 = tpu.memref_slice %arg6[%dma_start3A_458, %dma_start3A_460, %dma_start3A_461] : memref<2x1024x32xf32, #tpu.memory_space<vmem>> -> memref<1x1024x32xf32, #tpu.memory_space<vmem>>
        %dma_start3A_463 = tpu.memref_squeeze %dma_start3A_462 : memref<1x1024x32xf32, #tpu.memory_space<vmem>> -> memref<1024x32xf32, #tpu.memory_space<vmem>>
        %dma_start3A_464 = tpu.memref_slice %arg5[%mul3A_457] : memref<25600xi32, #tpu.memory_space<vmem>> -> memref<1024xi32, #tpu.memory_space<vmem>>
        %dma_start3A_465 = arith.constant 0 : i32
        %dma_start3A_466 = arith.constant 0 : i32
        %dma_start3A_467 = tpu.memref_slice %arg3[%dma_start3A_465, %dma_start3A_466] : memref<1000000x32xf32, #tpu.memory_space<hbm>> -> memref<1000000x32xf32, #tpu.memory_space<hbm>>
        %dma_start3A_468 = tpu.memref_slice %arg7[%dma_start3A_459] : memref<2x!tpu.dma_semaphore, #tpu.memory_space<semaphore_mem>> -> memref<1x!tpu.dma_semaphore, #tpu.memory_space<semaphore_mem>>
        %dma_start3A_469 = tpu.memref_squeeze %dma_start3A_468 : memref<1x!tpu.dma_semaphore, #tpu.memory_space<semaphore_mem>> -> memref<!tpu.dma_semaphore, #tpu.memory_space<semaphore_mem>>
        tpu.enqueue_indirect_dma source(%dma_start3A_467 : memref<1000000x32xf32, #tpu.memory_space<hbm>>) target(%dma_start3A_463 : memref<1024x32xf32, #tpu.memory_space<vmem>>) offsets(%dma_start3A_464 : memref<1024xi32, #tpu.memory_space<vmem>>) semaphore(%dma_start3A_469 : memref<!tpu.dma_semaphore, #tpu.memory_space<semaphore_mem>>)
      } else {
      }
    }
    %scan3A_34 = arith.constant 12 : i32
    %dma_wait3A = arith.constant 0 : i32
    %dma_wait3A_35 = arith.constant 0 : i32
    %dma_wait3A_36 = arith.constant 0 : i32
    %dma_wait3A_37 = arith.constant 0 : i32
    %dma_wait3A_38 = tpu.memref_slice %arg6[%dma_wait3A, %dma_wait3A_36, %dma_wait3A_37] : memref<2x1024x32xf32, #tpu.memory_space<vmem>> -> memref<1x1024x32xf32, #tpu.memory_space<vmem>>
    %dma_wait3A_39 = tpu.memref_squeeze %dma_wait3A_38 : memref<1x1024x32xf32, #tpu.memory_space<vmem>> -> memref<1024x32xf32, #tpu.memory_space<vmem>>
    %dma_wait3A_40 = arith.constant 24576 : i32
    %dma_wait3A_41 = tpu.memref_slice %arg5[%dma_wait3A_40] : memref<25600xi32, #tpu.memory_space<vmem>> -> memref<1024xi32, #tpu.memory_space<vmem>>
    %dma_wait3A_42 = arith.constant 0 : i32
    %dma_wait3A_43 = arith.constant 0 : i32
    %dma_wait3A_44 = tpu.memref_slice %arg3[%dma_wait3A_42, %dma_wait3A_43] : memref<1000000x32xf32, #tpu.memory_space<hbm>> -> memref<1000000x32xf32, #tpu.memory_space<hbm>>
    %dma_wait3A_45 = tpu.memref_slice %arg7[%dma_wait3A_35] : memref<2x!tpu.dma_semaphore, #tpu.memory_space<semaphore_mem>> -> memref<1x!tpu.dma_semaphore, #tpu.memory_space<semaphore_mem>>
    %dma_wait3A_46 = tpu.memref_squeeze %dma_wait3A_45 : memref<1x!tpu.dma_semaphore, #tpu.memory_space<semaphore_mem>> -> memref<!tpu.dma_semaphore, #tpu.memory_space<semaphore_mem>>
    tpu.wait_indirect_dma semaphore(%dma_wait3A_46 : memref<!tpu.dma_semaphore, #tpu.memory_space<semaphore_mem>>) src(%dma_wait3A_44 : memref<1000000x32xf32, #tpu.memory_space<hbm>>) dst(%dma_wait3A_39 : memref<1024x32xf32, #tpu.memory_space<vmem>>)
    %add3A_47 = arith.constant 24 : i32
    %add3A_48 = arith.addi %mul3A_4, %add3A_47 : i32
    %jit3A = arith.constant 16 : i32
    %div3A = arith.divsi %add3A_48, %jit3A : i32
    %sign3A = arith.constant 0 : i32
    %sign3A_49 = arith.cmpi sgt, %add3A_48, %sign3A : i32
    %sign3A_50 = arith.extui %sign3A_49 : i1 to i32
    %sign3A_51 = arith.constant 0 : i32
    %sign3A_52 = arith.cmpi slt, %add3A_48, %sign3A_51 : i32
    %sign3A_53 = arith.extui %sign3A_52 : i1 to i32
    %sign3A_54 = arith.subi %sign3A_50, %sign3A_53 : i32
    %sign3A_55 = arith.constant 0 : i32
    %sign3A_56 = arith.cmpi sgt, %jit3A, %sign3A_55 : i32
    %sign3A_57 = arith.extui %sign3A_56 : i1 to i32
    %sign3A_58 = arith.constant 0 : i32
    %sign3A_59 = arith.cmpi slt, %jit3A, %sign3A_58 : i32
    %sign3A_60 = arith.extui %sign3A_59 : i1 to i32
    %sign3A_61 = arith.subi %sign3A_57, %sign3A_60 : i32
    %ne3A = arith.cmpi ne, %sign3A_54, %sign3A_61 : i32
    %rem3A = arith.remsi %add3A_48, %jit3A : i32
    %ne3A_62 = arith.constant 0 : i32
    %ne3A_63 = arith.cmpi ne, %rem3A, %ne3A_62 : i32
    %and3A = arith.andi %ne3A, %ne3A_63 : i1
    %sub3A = arith.constant 1 : i32
    %sub3A_64 = arith.subi %div3A, %sub3A : i32
    %select_n3A = arith.select %and3A, %sub3A_64, %div3A : i32
    %jit3A_65 = arith.constant 16 : i32
    %eq3A = arith.constant 0 : i32
    %eq3A_66 = arith.cmpi eq, %jit3A_65, %eq3A : i32
    %jit3A_67 = arith.constant 1 : i32
    %select_n3A_68 = arith.select %eq3A_66, %jit3A_67, %jit3A_65 : i32
    %rem3A_69 = arith.remsi %add3A_48, %select_n3A_68 : i32
    %ne3A_70 = arith.constant 0 : i32
    %ne3A_71 = arith.cmpi ne, %rem3A_69, %ne3A_70 : i32
    %lt3A = arith.constant 0 : i32
    %lt3A_72 = arith.cmpi slt, %rem3A_69, %lt3A : i32
    %lt3A_73 = arith.constant 0 : i32
    %lt3A_74 = arith.cmpi slt, %select_n3A_68, %lt3A_73 : i32
    %ne3A_75 = arith.xori %lt3A_72, %lt3A_74 : i1
    %and3A_76 = arith.andi %ne3A_75, %ne3A_71 : i1
    %add3A_77 = arith.addi %rem3A_69, %select_n3A_68 : i32
    %select_n3A_78 = arith.select %and3A_76, %add3A_77, %rem3A_69 : i32
    %mul3A_79 = arith.constant 1024 : i32
    %mul3A_80 = arith.muli %select_n3A_78, %mul3A_79 : i32
    %dma_start3A_81 = arith.constant 0 : i32
    %dma_start3A_82 = arith.constant 0 : i32
    %dma_start3A_83 = arith.constant 0 : i32
    %dma_start3A_84 = arith.constant 0 : i32
    %dma_start3A_85 = tpu.memref_slice %arg6[%dma_start3A_81, %dma_start3A_83, %dma_start3A_84] : memref<2x1024x32xf32, #tpu.memory_space<vmem>> -> memref<1x1024x32xf32, #tpu.memory_space<vmem>>
    %dma_start3A_86 = tpu.memref_squeeze %dma_start3A_85 : memref<1x1024x32xf32, #tpu.memory_space<vmem>> -> memref<1024x32xf32, #tpu.memory_space<vmem>>
    %dma_start3A_87 = arith.constant 0 : i32
    %dma_start3A_88 = tpu.memref_slice %arg4[%select_n3A, %mul3A_80, %dma_start3A_87] : memref<50x16384x32xf32, #tpu.memory_space<hbm>> -> memref<1x1024x32xf32, #tpu.memory_space<hbm>>
    %dma_start3A_89 = tpu.memref_squeeze %dma_start3A_88 : memref<1x1024x32xf32, #tpu.memory_space<hbm>> -> memref<1024x32xf32, #tpu.memory_space<hbm>>
    %dma_start3A_90 = tpu.memref_slice %arg8[%dma_start3A_82] : memref<2x!tpu.dma_semaphore, #tpu.memory_space<semaphore_mem>> -> memref<1x!tpu.dma_semaphore, #tpu.memory_space<semaphore_mem>>
    %dma_start3A_91 = tpu.memref_squeeze %dma_start3A_90 : memref<1x!tpu.dma_semaphore, #tpu.memory_space<semaphore_mem>> -> memref<!tpu.dma_semaphore, #tpu.memory_space<semaphore_mem>>
    %dma_start3A_92 = arith.constant 0 : i32
    %dma_start3A_93 = tpu.memref_slice %arg4[%select_n3A, %mul3A_80, %dma_start3A_92] : memref<50x16384x32xf32, #tpu.memory_space<hbm>> -> memref<1x1024x32xf32, #tpu.memory_space<hbm>>
    %dma_start3A_94 = tpu.memref_squeeze %dma_start3A_93 : memref<1x1024x32xf32, #tpu.memory_space<hbm>> -> memref<1024x32xf32, #tpu.memory_space<hbm>>
    %dma_start3A_95 = arith.constant 0 : i32
    %dma_start3A_96 = arith.constant 0 : i32
    %dma_start3A_97 = tpu.memref_slice %arg6[%dma_start3A_81, %dma_start3A_95, %dma_start3A_96] : memref<2x1024x32xf32, #tpu.memory_space<vmem>> -> memref<1x1024x32xf32, #tpu.memory_space<vmem>>
    %dma_start3A_98 = tpu.memref_squeeze %dma_start3A_97 : memref<1x1024x32xf32, #tpu.memory_space<vmem>> -> memref<1024x32xf32, #tpu.memory_space<vmem>>
    tpu.enqueue_dma source(%dma_start3A_98 : memref<1024x32xf32, #tpu.memory_space<vmem>>) target(%dma_start3A_94 : memref<1024x32xf32, #tpu.memory_space<hbm>>) target_semaphore(%dma_start3A_91 : memref<!tpu.dma_semaphore, #tpu.memory_space<semaphore_mem>>)
    %add3A_99 = arith.constant 24 : i32
    %add3A_100 = arith.addi %mul3A_4, %add3A_99 : i32
    %jit3A_101 = arith.constant 16 : i32
    %div3A_102 = arith.divsi %add3A_100, %jit3A_101 : i32
    %sign3A_103 = arith.constant 0 : i32
    %sign3A_104 = arith.cmpi sgt, %add3A_100, %sign3A_103 : i32
    %sign3A_105 = arith.extui %sign3A_104 : i1 to i32
    %sign3A_106 = arith.constant 0 : i32
    %sign3A_107 = arith.cmpi slt, %add3A_100, %sign3A_106 : i32
    %sign3A_108 = arith.extui %sign3A_107 : i1 to i32
    %sign3A_109 = arith.subi %sign3A_105, %sign3A_108 : i32
    %sign3A_110 = arith.constant 0 : i32
    %sign3A_111 = arith.cmpi sgt, %jit3A_101, %sign3A_110 : i32
    %sign3A_112 = arith.extui %sign3A_111 : i1 to i32
    %sign3A_113 = arith.constant 0 : i32
    %sign3A_114 = arith.cmpi slt, %jit3A_101, %sign3A_113 : i32
    %sign3A_115 = arith.extui %sign3A_114 : i1 to i32
    %sign3A_116 = arith.subi %sign3A_112, %sign3A_115 : i32
    %ne3A_117 = arith.cmpi ne, %sign3A_109, %sign3A_116 : i32
    %rem3A_118 = arith.remsi %add3A_100, %jit3A_101 : i32
    %ne3A_119 = arith.constant 0 : i32
    %ne3A_120 = arith.cmpi ne, %rem3A_118, %ne3A_119 : i32
    %and3A_121 = arith.andi %ne3A_117, %ne3A_120 : i1
    %sub3A_122 = arith.constant 1 : i32
    %sub3A_123 = arith.subi %div3A_102, %sub3A_122 : i32
    %select_n3A_124 = arith.select %and3A_121, %sub3A_123, %div3A_102 : i32
    %jit3A_125 = arith.constant 16 : i32
    %eq3A_126 = arith.constant 0 : i32
    %eq3A_127 = arith.cmpi eq, %jit3A_125, %eq3A_126 : i32
    %jit3A_128 = arith.constant 1 : i32
    %select_n3A_129 = arith.select %eq3A_127, %jit3A_128, %jit3A_125 : i32
    %rem3A_130 = arith.remsi %add3A_100, %select_n3A_129 : i32
    %ne3A_131 = arith.constant 0 : i32
    %ne3A_132 = arith.cmpi ne, %rem3A_130, %ne3A_131 : i32
    %lt3A_133 = arith.constant 0 : i32
    %lt3A_134 = arith.cmpi slt, %rem3A_130, %lt3A_133 : i32
    %lt3A_135 = arith.constant 0 : i32
    %lt3A_136 = arith.cmpi slt, %select_n3A_129, %lt3A_135 : i32
    %ne3A_137 = arith.xori %lt3A_134, %lt3A_136 : i1
    %and3A_138 = arith.andi %ne3A_137, %ne3A_132 : i1
    %add3A_139 = arith.addi %rem3A_130, %select_n3A_129 : i32
    %select_n3A_140 = arith.select %and3A_138, %add3A_139, %rem3A_130 : i32
    %mul3A_141 = arith.constant 1024 : i32
    %mul3A_142 = arith.muli %select_n3A_140, %mul3A_141 : i32
    %dma_wait3A_143 = arith.constant 0 : i32
    %dma_wait3A_144 = arith.constant 0 : i32
    %dma_wait3A_145 = arith.constant 0 : i32
    %dma_wait3A_146 = arith.constant 0 : i32
    %dma_wait3A_147 = tpu.memref_slice %arg6[%dma_wait3A_143, %dma_wait3A_145, %dma_wait3A_146] : memref<2x1024x32xf32, #tpu.memory_space<vmem>> -> memref<1x1024x32xf32, #tpu.memory_space<vmem>>
    %dma_wait3A_148 = tpu.memref_squeeze %dma_wait3A_147 : memref<1x1024x32xf32, #tpu.memory_space<vmem>> -> memref<1024x32xf32, #tpu.memory_space<vmem>>
    %dma_wait3A_149 = arith.constant 0 : i32
    %dma_wait3A_150 = tpu.memref_slice %arg4[%select_n3A_124, %mul3A_142, %dma_wait3A_149] : memref<50x16384x32xf32, #tpu.memory_space<hbm>> -> memref<1x1024x32xf32, #tpu.memory_space<hbm>>
    %dma_wait3A_151 = tpu.memref_squeeze %dma_wait3A_150 : memref<1x1024x32xf32, #tpu.memory_space<hbm>> -> memref<1024x32xf32, #tpu.memory_space<hbm>>
    %dma_wait3A_152 = tpu.memref_slice %arg8[%dma_wait3A_144] : memref<2x!tpu.dma_semaphore, #tpu.memory_space<semaphore_mem>> -> memref<1x!tpu.dma_semaphore, #tpu.memory_space<semaphore_mem>>
    %dma_wait3A_153 = tpu.memref_squeeze %dma_wait3A_152 : memref<1x!tpu.dma_semaphore, #tpu.memory_space<semaphore_mem>> -> memref<!tpu.dma_semaphore, #tpu.memory_space<semaphore_mem>>
    %dma_wait3A_154 = arith.constant 0 : i32
    %dma_wait3A_155 = tpu.memref_slice %arg4[%select_n3A_124, %mul3A_142, %dma_wait3A_154] : memref<50x16384x32xf32, #tpu.memory_space<hbm>> -> memref<1x1024x32xf32, #tpu.memory_space<hbm>>
    %dma_wait3A_156 = tpu.memref_squeeze %dma_wait3A_155 : memref<1x1024x32xf32, #tpu.memory_space<hbm>> -> memref<1024x32xf32, #tpu.memory_space<hbm>>
    %dma_wait3A_157 = arith.constant 0 : i32
    %dma_wait3A_158 = arith.constant 0 : i32
    %dma_wait3A_159 = tpu.memref_slice %arg6[%dma_wait3A_143, %dma_wait3A_157, %dma_wait3A_158] : memref<2x1024x32xf32, #tpu.memory_space<vmem>> -> memref<1x1024x32xf32, #tpu.memory_space<vmem>>
    %dma_wait3A_160 = tpu.memref_squeeze %dma_wait3A_159 : memref<1x1024x32xf32, #tpu.memory_space<vmem>> -> memref<1024x32xf32, #tpu.memory_space<vmem>>
    tpu.wait_dma2 semaphore(%dma_wait3A_153 : memref<!tpu.dma_semaphore, #tpu.memory_space<semaphore_mem>>) src(%dma_wait3A_160 : memref<1024x32xf32, #tpu.memory_space<vmem>>) dst(%dma_wait3A_156 : memref<1024x32xf32, #tpu.memory_space<hbm>>)
    return
  }
}

</mosaic_0001>

<sc_bundles>
// kernel: kernel.3.cloned.1.call-start
scs
__scs_entry_jumppad:
0x0: {  	(pc) =	sbr.rel $0x88, $3  }
0x1: {  	(tag) =	ssettag $0x0;
	lr =	simm.s32 $0x1  }
0x2: {  	[smem:$0x3F9F] =	sst lr;
	_ =	strace $0xD0000000  }
0x3: {  	_ = 	snop  }
0x4: {  	_ = 	snop  }
0x5: {  	_ = 	snop  }
0x6: {  	_ = 	snop  }
0x7: {  	_ = 	snop  }
__scs_overlays_trampoline_lowered:
0x8: {  	[smem:$0x3FAE] =	sst s0  }
0x9: {  	[smem:$0x3FAF] =	sst s1  }
0xa: {  	[smem:$0x3FB0] =	sst s2  }
0xb: {  	[smem:$0x3FB1] =	sst s3  }
0xc: {  	[smem:$0x3FB2] =	sst s4  }
0xd: {  	[smem:$0x3FB3] =	sst s5  }
0xe: {  	[smem:$0x3FB4] =	sst s6  }
0xf: {  	[smem:$0x3FB5] =	sst s7  }
0x10: {  	[smem:$0x3FB6] =	sst s8  }
0x11: {  	[smem:$0x3FB7] =	sst s9;
	s0 =	simm.s32 @!p0 $0x0  }
0x12: {  	s1 =	sld [smem:$0x3F9D];
	s0 =	simm.s32 @p0 $0x1  }
0x13: {  	[smem:$0x3FB8] =	sst s0;
	s0 =	simm.s32 @!p1 $0x0  }
0x14: {  	s2 =	sld [smem:$0x3F9C];
	s0 =	simm.s32 @p1 $0x1  }
0x15: {  	[smem:$0x3FB9] =	sst s0;
	s0 =	simm.s32 @!p2 $0x0  }
0x16: {  	s3 =	sld [smem:$0x3FDB];
	s0 =	simm.s32 @p2 $0x1  }
0x17: {  	s4 =	simm.s32 $0x1BF5;
	[smem:$0x3FBB] =	sst s0  }
0x18: {  	s0 =	sld [smem:$0x3F9E];
	_ =	swait.ge [sflag:s4], $0x0  }
0x19: {  	s7 =	sld [smem:$0x3F9F]  }
0x1a: {  	s8 =	sadd.s32 $0xFFFFE003, lr  }
0x1b: {  	s9 =	sadd.s32 $0xFFFFFEF7, lr;
	s5 =	simm.s32 $0xFFFFFFFF;
	p2 =	slt.u32 s8, $0xFFFFF086  }
0x1c: {  	p1 =	slt.u32 s9, $0xF7A;
	s5 =	simm.s32 @!p2 $0x0  }
0x1d: {  	s5 =	simm.s32 @p1 $0x1;
	p0 =	seq.s32 s7, s2  }
0x1e: {  	s7 =	smul.u32 @!p0 $0xF7A, s2;
	p2 =	seq.s32 @!p0 s5, $0x0  }
0x1f: {  	s9 =	smul.u32 $0xF7A, s1;
	s8 =	simm.s32 @!p0 $0x1BF5;
	p2 =	por !p2, p0  }
0x20: {  	[sflag:s8] =	ssyncset.s32 @!p0 $0xFFFFF086;
	s6 =	sadd.s32 @!p0 s3, s7;
	s7 =	simm.s32 @!p0 $0x108  }
0x21: {  	s3 =	sadd.s32 s3, s9;
	s6 =	sadd.s32 @!p0 $0x88, s6;
	s7 =	simm.s32 @p2 $0x1082  }
0x22: {  	[simem:s7], [sflag:s8] =	dma.local @!p0 [hbm:s6], $0xF7A  }
0x23: {  	s9 =	sor.u32 $0xD0000000, s2;
	s6 =	simm.s32 $0x108;
	_ =	swait.ge @!p0 [sflag:s8], $0x0  }
0x24: {  	s3 =	sadd.s32 $0x88, s3;
	s6 =	simm.s32 @!p1 $0x1082;
	[sflag:s4] =	ssyncset.s32 $0xFFFFF086  }
0x25: {  	[simem:s6], [sflag:s4] =	dma.local [hbm:s3], $0xF7A  }
0x26: {  	[smem:$0x3F9F] =	sst s1;
	(tag) =	ssettag s2;
	_ =	strace s9  }
0x27: {  	s1 =	sld [smem:$0x3FAF]  }
0x28: {  	s2 =	sld [smem:$0x3FB0]  }
0x29: {  	s4 =	sld [smem:$0x3FB2]  }
0x2a: {  	p0 =	seq.s32 s5, $0x0;
	s5 =	sld [smem:$0x3FB3]  }
0x2b: {  	s6 =	sld [smem:$0x3FB4]  }
0x2c: {  	s7 =	sld [smem:$0x3FB5]  }
0x2d: {  	s3 =	simm.s32 $0x108;
	s8 =	sld [smem:$0x3FB6]  }
0x2e: {  	s3 =	simm.s32 @!p0 $0x1082;
	s9 =	sld [smem:$0x3FB7]  }
0x2f: {  	lr =	sadd.s32 s0, s3;
	s0 =	sld [smem:$0x3FAE]  }
0x30: {  	s3 =	sld [smem:$0x3FB1]  }
0x31: {  	[smem:$0x3FBA] =	sst s10  }
0x32: {  	s10 =	sld [smem:$0x3FB8];
	_ =	sdelay $0x3  }
0x33: {  	p0 =	seq.s32 s10, $0x1;
	s10 =	sld [smem:$0x3FBA];
	_ =	sdelay $0x3  }
0x34: {  	[smem:$0x3FBA] =	sst s10  }
0x35: {  	s10 =	sld [smem:$0x3FB9];
	_ =	sdelay $0x3  }
0x36: {  	p1 =	seq.s32 s10, $0x1;
	s10 =	sld [smem:$0x3FBA];
	_ =	sdelay $0x3  }
0x37: {  	[smem:$0x3FBA] =	sst s10  }
0x38: {  	s10 =	sld [smem:$0x3FBB]  }
0x39: {  	_ = 	snop;
	(pc) =	sbr.ind lr, $3  }
0x3a: {  	_ = 	snop  }
0x3b: {  	_ = 	snop  }
0x3c: {  	p2 =	seq.s32 s10, $0x1;
	s10 =	sld [smem:$0x3FBA]  }
0x3d: {  	_ =	shalt  }
0x3e: {  	_ =	shalt  }
0x3f: {  	_ =	shalt  }
0x40: {  	_ =	shalt  }
0x41: {  	_ =	shalt  }
0x42: {  	_ =	shalt  }
0x43: {  	_ =	shalt  }
0x44: {  	_ =	shalt  }
0x45: {  	_ =	shalt  }
0x46: {  	_ =	shalt  }
0x47: {  	_ =	shalt  }
0x48: {  	_ =	shalt  }
0x49: {  	_ =	shalt  }
0x4a: {  	_ =	shalt  }
0x4b: {  	_ =	shalt  }
0x4c: {  	_ =	shalt  }
0x4d: {  	_ =	shalt  }
0x4e: {  	_ =	shalt  }
0x4f: {  	_ =	shalt  }
0x50: {  	_ =	shalt  }
0x51: {  	_ =	shalt  }
0x52: {  	_ =	shalt  }
0x53: {  	_ =	shalt  }
0x54: {  	_ =	shalt  }
0x55: {  	_ =	shalt  }
0x56: {  	_ =	shalt  }
0x57: {  	_ =	shalt  }
0x58: {  	_ =	shalt  }
0x59: {  	_ =	shalt  }
0x5a: {  	_ =	shalt  }
0x5b: {  	_ =	shalt  }
0x5c: {  	_ =	shalt  }
0x5d: {  	_ =	shalt  }
0x5e: {  	_ =	shalt  }
0x5f: {  	_ =	shalt  }
0x60: {  	_ =	shalt  }
0x61: {  	_ =	shalt  }
0x62: {  	_ =	shalt  }
0x63: {  	_ =	shalt  }
0x64: {  	_ =	shalt  }
0x65: {  	_ =	shalt  }
0x66: {  	_ =	shalt  }
0x67: {  	_ =	shalt  }
0x68: {  	_ =	shalt  }
0x69: {  	_ =	shalt  }
0x6a: {  	_ =	shalt  }
0x6b: {  	_ =	shalt  }
0x6c: {  	_ =	shalt  }
0x6d: {  	_ =	shalt  }
0x6e: {  	_ =	shalt  }
0x6f: {  	_ =	shalt  }
0x70: {  	_ =	shalt  }
0x71: {  	_ =	shalt  }
0x72: {  	_ =	shalt  }
0x73: {  	_ =	shalt  }
0x74: {  	_ =	shalt  }
0x75: {  	_ =	shalt  }
0x76: {  	_ =	shalt  }
0x77: {  	_ =	shalt  }
0x78: {  	_ =	shalt  }
0x79: {  	_ =	shalt  }
0x7a: {  	_ =	shalt  }
0x7b: {  	_ =	shalt  }
0x7c: {  	_ =	shalt  }
0x7d: {  	_ =	shalt  }
0x7e: {  	_ =	shalt  }
0x7f: {  	_ =	shalt  }
0x80: {  	_ =	shalt  }
0x81: {  	_ =	shalt  }
0x82: {  	_ =	shalt  }
0x83: {  	_ =	shalt  }
0x84: {  	_ =	shalt  }
0x85: {  	_ =	shalt  }
0x86: {  	_ =	shalt  }
0x87: {  	_ =	shalt  }
.Lfunc_end0:
.L_simem_size_0:
called_computation.1_lowered:
.L_overlay_start_0:
0x88: {  	s2 =	sld [smem:$0x3FD9]  }
0x89: {  	s3 =	sld [smem:$0x3FFE];
	_ =	sdelay $0x1  }
0x8a: {  	s1 =	srdreg.scid  }
0x8b: {  	s0 =	sand.u32 $0x1, s1  }
0x8c: {  	s17 =	sshll.u32 s0, $0xA;
	s2 =	sadd.s32 s3, s2  }
0x8d: {  	s2 =	sadd.s32 s2, s17  }
0x8e: {  	[smem:$0x3FC6] =	sst s2  }
0x8f: {  	_ = 	snop  }
0x90: {  	s2 =	sld [smem:$0x3FD0];
	(tm) =	ssettm $0x1  }
0x91: {  	s18 =	sld [smem:$0x3FFB];
	_ =	sdelay $0x3  }
0x92: {  	_ =	strace s18  }
0x93: {  	s3 =	sld [smem:$0x3FFC];
	_ =	sdelay $0x3  }
0x94: {  	_ =	strace s3  }
0x95: {  	s3 =	sld [smem:$0x3FFD];
	_ =	sdelay $0x3  }
0x96: {  	_ =	strace s3  }
0x97: {  	_ =	strace $0x8FFFFFFF  }
0x98: {  	s19 =	sld [smem:$0x3FDB];
	_ =	sdelay $0x1  }
0x99: {  	s4 =	simm.s32 $_scs_section_size  }
0x9a: {  	s5 =	simm.s32 $_size__tile_overlayer_lowered;
	s6 =	simm.s32 $_tile_overlayer_lowered  }
0x9b: {  	s22 =	simm.s32 $0x1BFF;
	s21 =	sshll.u32 s6, $0x1;
	s3 =	sadd.s32 s4, s19  }
0x9c: {  	s7 =	simm.s32 $0x0;
	s20 =	sshll.u32 s5, $0x1;
	s5 =	sadd.s32 s21, s3  }
0x9d: {  	[timem:s7], [sflag:s22] =	dma.local [hbm:s5], s20  }
0x9e: {  	_ =	swait.ge [sflag:s22], s20  }
0x9f: {  	s4 =	ssub.s32 $0x0, s20;
	[sflag:s22] =	ssyncset.done $0x0  }
0xa0: {  	[sflag:s22] =	ssyncadd.s32 s4;
	_ =	sdelay $0x1  }
0xa1: {  	s23 =	simm.s32 $0x1B8B  }
0xa2: {  	_ =	swait.ge [sflag:s23], $0x1  }
0xa3: {  	[sflag:s23] =	ssyncset.done $0x0  }
0xa4: {  	s25 =	simm.s32 $0x1B8E;
	s24 =	sld [smem:$0x3FFE];
	[sflag:s23] =	ssyncadd.s32 $0xFFFFFFFF  }
0xa5: {  	s26 =	simm.s32 $execute0_lowered;
	[smem:$0x3FD2] =	sst s25  }
0xa6: {  	s5 =	sshll.u32 s26, $0x1;
	_ =	strace $0x80000046;
	[dreg:$0x1] =	wrdreg $0xFFFFFFFF  }
0xa7: {  	s28 =	simm.s32 $_size_execute0_lowered;
	s3 =	sadd.s32 s3, s5;
	[dreg:$0x0] =	wrdreg $0x0  }
0xa8: {  	s5 =	sshll.u32 s28, $0x1;
	[dreg:$0x2] =	wrdreg s3  }
0xa9: {  	[dreg:$0x3] =	wrdreg s5  }
0xaa: {  	[dreg:$0x4] =	wrdreg $0xC0  }
0xab: {  	_ =	task [dreg:s7], $0x5FFFF  }
0xac: {  	[dreg:$0x1] =	wrdreg $0xFFFFFFFF  }
0xad: {  	[dreg:$0x0] =	wrdreg $0x60  }
0xae: {  	[dreg:$0x2] =	wrdreg s24  }
0xaf: {  	[dreg:$0x3] =	wrdreg s2  }
0xb0: {  	[dreg:$0x4] =	wrdreg $0x9  }
0xb1: {  	_ =	task.clear_ibuf [dreg:s7], $0x5FFFF;
	_ =	strace $0x90000046  }
0xb2: {  	s29 =	simm.s32 $0x9;
	_ =	strace $0x80000048  }
0xb3: {  	_ =	swait.ge [sflag:s29], $0x1  }
0xb4: {  	[sflag:s29] =	ssyncadd.s32 $0xFFFFFFFF  }
0xb5: {  	_ =	strace $0x90000048  }
0xb6: {  	_ =	sfence  }
0xb7: {  	s30 =	sld [smem:$0x0];
	_ =	sdelay $0x2  }
0xb8: {  	s31 =	sshll.u32 s1, $0xD;
	s1 =	sshrl.u32 s1, $0x2  }
0xb9: {  	s3 =	sand.u32 $0x4000, s31;
	s1 =	sadd.s32 s1, s30  }
0xba: {  	s0 =	sor.u32 s3, s0;
	s1 =	sshll.u32 s1, $0x11  }
0xbb: {  	s0 =	sor.u32 s1, s0  }
0xbc: {  	s0 =	sadd.s32 $0x8F2B, s0  }
0xbd: {  	[sflag:s0] =	ssyncadd.remote.s32 $0x1  }
0xbe: {  	_ =	sfence.sel $0xFFFF  }
0xbf: {  	[dreg:$0x0] =	wrdreg $0xFFFFFFFF;
	(pc) =	sbr.abs _section_cstart, $3  }
0xc0: {  	[dreg:$0x1] =	wrdreg $0xFFFFFFFF  }
0xc1: {  	_ =	task.clear_ibuf [dreg:s7], $0x2FFFF;
	_ =	strace $0x9FFFFFFF  }
0xc2: {  	(tm) =	ssettm $0x7FFFFFFF  }
0xc3: {  	_ =	shalt  }
tec
execute0_lowered:
.L_overlay_start_1:
0x0: {  	(tag) =	ssettag $0x1  }
0x1: {  	s1 =	srdreg.scid;
	s3 =	rddreg [dreg:$0x0]  }
0x2: {  	s0 =	stileid.u32;
	s9 =	rddreg [dreg:$0x1];
	s2 =	simm.s32 $0x0  }
0x3: {  	s14 =	simm.s32 $0xE400;
	s15 =	simm.s32 $0x1;
	s16 =	simm.s32 $0x3  }
0x4: {  	s17 =	simm.s32 $0x2;
	s18 =	simm.s32 $0x4;
	s11 =	smul.u32 $0x32, s0  }
0x5: {  	s19 =	simm.s32 $0x6000;
	s8 =	sand.u32 $0x1, s1;
	s29 =	smul.u32 $0x32000, s0  }
0x6: {  	s20 =	simm.s32 $0x0;
	s26 =	sshll.u32 s0, $0x1;
	s12 =	smul.u32 $0x19, s8  }
0x7: {  	s1 =	rddreg [dreg:$0x2];
	s4 =	sor.u32 s8, s26;
	s13 =	smul.u32 $0x19000, s8  }
0x8: {  	[smem:$0x7FF] =	sst s2;
	s7 =	ssub.s32 $0x2, s8;
	s5 =	smul.u32 $0xC80, s4  }
0x9: {  	_ =	strace $0x80000047;
	s6 =	smul.u32 $0xC8000, s4;
	s28 =	sshrl.u32 s7, $0x1  }
0xa: {  	s10 =	smul.u32 $0x19000, s4;
	s31 =	sadd.s32 s29, s9;
	s7 =	ssub.s32 s7, s28  }
0xb: {  	s11 =	sadd.s32 s12, s11;
	s12 =	simm.s32 $0x400;
	s5 =	sadd.s32 s5, s3  }
0xc: {  	s3 =	sadd.s32 $0xF42E00, s3;
	s6 =	sshrl.u32 s6, $0x3;
	s10 =	sadd.s32 s9, s10  }
0xd: {  	s11 =	sshll.u32 s11, $0xC;
	s6 =	sadd.s32 s9, s6;
	s4 =	sadd.s32 $0xA00, s5  }
0xe: {  	s8 =	sadd.s32 $0x17000, s10;
	s30 =	sadd.s32 s9, s11;
	s11 =	simm.s32 $0x5  }
0xf: {  	s5 =	sadd.s32 $0x18000, s6;
	s6 =	smax.u32 s7, $0x1;
	s7 =	sadd.s32 $0x16000, s10  }
0x10: {  	s9 =	sadd.s32 $0x1000, s30;
	s10 =	sadd.s32 s13, s31;
	s13 =	simm.s32 $0x6400  }
.LBB2_1:
0x11: {  	[tilespmem:s2], [sflag:$0x5] =	stream.linear.gather [hbm4b:s4+s2], $0x6400, $0x38;
	[tilespmem:$0x16400] =	vst v63  }
0x12: {  	_ =	swait.ge [sflag:s11], $0x6400  }
0x13: {  	[sflag:s11] =	ssyncset.done $0x0  }
0x14: {  	[sflag:s11] =	ssyncadd.s32 $0xFFFF9C00  }
0x15: {  	[tilespmem:s13], [sflag:$0x1] =	stream.indirect.gather [hbm4b:s3+s12], $0x20, s2, s12, $0xb8;
	[tilespmem:$0x16400] =	vst v63  }
0x16: {  	_ = 	snop  }
0x17: {  	[tilespmem:s14], [sflag:$0x2] =	stream.indirect.gather [hbm4b:s3+s12], $0x20, s12, s12, $0xb8;
	[tilespmem:$0x16400] =	vst v63  }
0x18: {  	_ =	swait.ge [sflag:s15], $0x8000  }
0x19: {  	[sflag:s15] =	ssyncset.done $0x0  }
0x1a: {  	s21 =	sadd.s32 $0x0, s10;
	[sflag:s15] =	ssyncadd.s32 $0xFFFF8000  }
0x1b: {  	[hbm4b:s21+s2] =	stream.linear.scatter [tilespmem:s13], [sflag:$0x3], $0x8000, $0x38;
	[tilespmem:$0x16400] =	vst v63  }
0x1c: {  	_ =	swait.ge [sflag:s16], $0x8000  }
0x1d: {  	[sflag:s16] =	ssyncset.done $0x0  }
0x1e: {  	s30 =	simm.s32 $0x800;
	[sflag:s16] =	ssyncadd.s32 $0xFFFF8000  }
0x1f: {  	[tilespmem:s13], [sflag:$0x1] =	stream.indirect.gather [hbm4b:s3+s12], $0x20, s30, s12, $0xb8;
	[tilespmem:$0x16400] =	vst v63  }
0x20: {  	_ =	swait.ge [sflag:s17], $0x8000  }
0x21: {  	[sflag:s17] =	ssyncset.done $0x0  }
0x22: {  	s31 =	sadd.s32 $0x0, s9;
	[sflag:s17] =	ssyncadd.s32 $0xFFFF8000  }
0x23: {  	[hbm4b:s31+s2] =	stream.linear.scatter [tilespmem:s14], [sflag:$0x4], $0x8000, $0x38;
	[tilespmem:$0x16400] =	vst v63  }
0x24: {  	_ =	swait.ge [sflag:s18], $0x8000  }
0x25: {  	[sflag:s18] =	ssyncset.done $0x0  }
0x26: {  	s22 =	simm.s32 $0xC00;
	s21 =	simm.s32 $0x2000;
	[sflag:s18] =	ssyncadd.s32 $0xFFFF8000  }
.LBB2_2:
0x27: {  	[tilespmem:s14], [sflag:$0x2] =	stream.indirect.gather [hbm4b:s3+s12], $0x20, s22, s12, $0xb8;
	[tilespmem:$0x16400] =	vst v63  }
0x28: {  	s22 =	smov.u32 s21  }
0x29: {  	p0 =	sne.s32 s21, $0x14000;
	s21 =	sadd.s32 $0x2000, s21;
	_ =	swait.ge [sflag:s15], $0x8000  }
0x2a: {  	[sflag:s15] =	ssyncset.done $0x0  }
0x2b: {  	s23 =	sadd.s32 s22, s10;
	[sflag:s15] =	ssyncadd.s32 $0xFFFF8000  }
0x2c: {  	[hbm4b:s23+s2] =	stream.linear.scatter [tilespmem:s13], [sflag:$0x3], $0x8000, $0x38;
	[tilespmem:$0x16400] =	vst v63  }
0x2d: {  	_ =	swait.ge [sflag:s16], $0x8000  }
0x2e: {  	s23 =	sshra.s32 s22, $0x2;
	[sflag:s16] =	ssyncset.done $0x0  }
0x2f: {  	s24 =	sadd.s32 $0x800, s23;
	[sflag:s16] =	ssyncadd.s32 $0xFFFF8000  }
0x30: {  	[tilespmem:s13], [sflag:$0x1] =	stream.indirect.gather [hbm4b:s3+s12], $0x20, s24, s12, $0xb8;
	[tilespmem:$0x16400] =	vst v63  }
0x31: {  	_ =	swait.ge [sflag:s17], $0x8000  }
0x32: {  	[sflag:s17] =	ssyncset.done $0x0  }
.Ltmp0:
0x33: {  	s22 =	sadd.s32 s22, s9;
	[sflag:s17] =	ssyncadd.s32 $0xFFFF8000;
	(pc) =	sbr.rel @p0 .LBB2_2-.Ltmp0, $4  }
0x34: {  	[hbm4b:s22+s2] =	stream.linear.scatter [tilespmem:s14], [sflag:$0x4], $0x8000, $0x38;
	[tilespmem:$0x16400] =	vst v63  }
0x35: {  	_ =	swait.ge [sflag:s18], $0x8000  }
0x36: {  	[sflag:s18] =	ssyncset.done $0x0  }
0x37: {  	s22 =	sadd.s32 $0xC00, s23;
	[sflag:s18] =	ssyncadd.s32 $0xFFFF8000  }
0x38: {  	[tilespmem:s14], [sflag:$0x2] =	stream.indirect.gather [hbm4b:s3+s12], $0x20, s22, s12, $0xb8;
	[tilespmem:$0x16400] =	vst v63  }
0x39: {  	_ =	swait.ge [sflag:s15], $0x8000  }
0x3a: {  	[sflag:s15] =	ssyncset.done $0x0  }
0x3b: {  	[sflag:s15] =	ssyncadd.s32 $0xFFFF8000  }
0x3c: {  	[hbm4b:s7+s2] =	stream.linear.scatter [tilespmem:s13], [sflag:$0x3], $0x8000, $0x38;
	[tilespmem:$0x16400] =	vst v63  }
0x3d: {  	_ =	swait.ge [sflag:s16], $0x8000  }
0x3e: {  	[sflag:s16] =	ssyncset.done $0x0  }
0x3f: {  	[sflag:s16] =	ssyncadd.s32 $0xFFFF8000  }
0x40: {  	[tilespmem:s13], [sflag:$0x1] =	stream.indirect.gather [hbm4b:s3+s12], $0x20, s19, s12, $0xb8;
	[tilespmem:$0x16400] =	vst v63  }
0x41: {  	_ =	swait.ge [sflag:s17], $0x8000  }
0x42: {  	[sflag:s17] =	ssyncset.done $0x0  }
0x43: {  	[sflag:s17] =	ssyncadd.s32 $0xFFFF8000  }
0x44: {  	[hbm4b:s8+s2] =	stream.linear.scatter [tilespmem:s14], [sflag:$0x4], $0x8000, $0x38;
	[tilespmem:$0x16400] =	vst v63  }
0x45: {  	_ =	swait.ge [sflag:s18], $0x8000  }
0x46: {  	[sflag:s18] =	ssyncset.done $0x0  }
0x47: {  	[sflag:s18] =	ssyncadd.s32 $0xFFFF8000  }
0x48: {  	s20 =	sadd.s32 $0x1, s20;
	_ =	swait.ge [sflag:s15], $0x8000  }
0x49: {  	p0 =	sne.s32 s20, s6;
	[sflag:s15] =	ssyncset.done $0x0  }
.Ltmp1:
0x4a: {  	[sflag:s15] =	ssyncadd.s32 $0xFFFF8000;
	(pc) =	sbr.rel @p0 .LBB2_1-.Ltmp1, $4  }
0x4b: {  	[hbm4b:s5+s2] =	stream.linear.scatter [tilespmem:s13], [sflag:$0x3], $0x8000, $0x38;
	[tilespmem:$0x16400] =	vst v63  }
0x4c: {  	_ =	swait.ge [sflag:s16], $0x8000  }
0x4d: {  	[sflag:s16] =	ssyncset.done $0x0  }
0x4e: {  	[sflag:s16] =	ssyncadd.s32 $0xFFFF8000  }
0x4f: {  	_ =	sfence.sel $0x180000  }
0x50: {  	[bflag:$0x0] =	sbarrier.arrive $0xFFFF  }
0x51: {  	p0 =	sne.s32 s0, $0x0;
	_ =	strace $0x90000047  }
0x52: {  	s0 =	sadd.s32 @!p0 $0x100000, s1;
	[bflag:$0x2] =	sbarrier.arrive $0xFFFF  }
0x53: {  	[sflag:s0] =	ssyncadd.tile.s32 @!p0 $0x1;
	_ =	shalt  }
.Lfunc_end2:
_tile_overlayer_lowered:
.L_overlay_start_2:
0x54: {  	(tag) =	ssettag $0x2  }
0x55: {  	s0 =	rddreg [dreg:$0x0];
	s2 =	stileid.u32  }
0x56: {  	s1 =	rddreg [dreg:$0x1];
	p0 =	sne.s32 s2, $0x0  }
0x57: {  	s3 =	rddreg [dreg:$0x2];
	[bflag:$0x3] =	sbarrier.arrive $0xFFFF;
	s2 =	simm.s32 @!p0 $0x1C05  }
0x58: {  	[timem:s3], [sflag:s2] =	dma.local @!p0 [hbm:s0], s1  }
0x59: {  	s0 =	simm.s32 @!p0 $0x5  }
0x5a: {  	_ =	swait.ge @!p0 [sflag:s0], s1  }
0x5b: {  	s1 =	ssub.s32 @!p0 $0x0, s1;
	[sflag:s0] =	ssyncset.done @!p0 $0x0  }
0x5c: {  	[sflag:s0] =	ssyncadd.s32 @!p0 s1  }
0x5d: {  	[bflag:$0x3] =	sbarrier.arrive $0xFFFF  }
0x5e: {  	_ =	shalt  }

// kernel: sparse-core-data-format-call.cloned.1.call-start
scs
called_computation_lowered:
.L_overlay_start_0:
0x0: {  	s2 =	sld [smem:$0x3FD9]  }
0x1: {  	s3 =	sld [smem:$0x3FFE];
	_ =	sdelay $0x1  }
0x2: {  	s1 =	srdreg.scid  }
0x3: {  	s0 =	sand.u32 $0x1, s1  }
0x4: {  	s18 =	sshll.u32 s0, $0xA;
	s2 =	sadd.s32 s3, s2  }
0x5: {  	s2 =	sadd.s32 s2, s18  }
0x6: {  	[smem:$0x3FC6] =	sst s2  }
0x7: {  	_ = 	snop  }
0x8: {  	s2 =	sld [smem:$0x3FD0];
	(tm) =	ssettm $0x1  }
0x9: {  	s19 =	sld [smem:$0x3FFB];
	_ =	sdelay $0x3  }
0xa: {  	_ =	strace s19  }
0xb: {  	s3 =	sld [smem:$0x3FFC];
	_ =	sdelay $0x3  }
0xc: {  	_ =	strace s3  }
0xd: {  	s3 =	sld [smem:$0x3FFD];
	_ =	sdelay $0x3  }
0xe: {  	_ =	strace s3  }
0xf: {  	_ =	strace $0x8FFFFFFF  }
0x10: {  	s20 =	sld [smem:$0x3FDB];
	_ =	sdelay $0x1  }
0x11: {  	s4 =	simm.s32 $_scs_section_size  }
0x12: {  	s5 =	simm.s32 $_size__tile_overlayer_lowered;
	s6 =	simm.s32 $_tile_overlayer_lowered  }
0x13: {  	s23 =	simm.s32 $0x1BFF;
	s22 =	sshll.u32 s6, $0x1;
	s3 =	sadd.s32 s4, s20  }
0x14: {  	s7 =	simm.s32 $0x0;
	s21 =	sshll.u32 s5, $0x1;
	s5 =	sadd.s32 s22, s3  }
0x15: {  	[timem:s7], [sflag:s23] =	dma.local [hbm:s5], s21  }
0x16: {  	_ =	swait.ge [sflag:s23], s21  }
0x17: {  	s4 =	ssub.s32 $0x0, s21;
	[sflag:s23] =	ssyncset.done $0x0  }
0x18: {  	[sflag:s23] =	ssyncadd.s32 s4;
	_ =	sdelay $0x1  }
0x19: {  	s24 =	simm.s32 $0x1B8B  }
0x1a: {  	_ =	swait.ge [sflag:s24], $0x1  }
0x1b: {  	[sflag:s24] =	ssyncset.done $0x0  }
0x1c: {  	s26 =	simm.s32 $0x1B8E;
	s25 =	sld [smem:$0x3FFE];
	[sflag:s24] =	ssyncadd.s32 $0xFFFFFFFF  }
0x1d: {  	s27 =	simm.s32 $execute0_lowered;
	[smem:$0x3FD2] =	sst s26  }
0x1e: {  	s5 =	sshll.u32 s27, $0x1;
	_ =	strace $0x80000049;
	[dreg:$0x1] =	wrdreg $0xFFFFFFFF  }
0x1f: {  	s28 =	simm.s32 $_size_execute0_lowered;
	s3 =	sadd.s32 s3, s5;
	[dreg:$0x0] =	wrdreg $0x0  }
0x20: {  	s5 =	sshll.u32 s28, $0x1;
	[dreg:$0x2] =	wrdreg s3  }
0x21: {  	[dreg:$0x3] =	wrdreg s5  }
0x22: {  	[dreg:$0x4] =	wrdreg $0xC0  }
0x23: {  	_ =	task [dreg:s7], $0x5FFFF  }
0x24: {  	[dreg:$0x1] =	wrdreg $0xFFFFFFFF  }
0x25: {  	[dreg:$0x0] =	wrdreg $0x60  }
0x26: {  	[dreg:$0x2] =	wrdreg s25  }
0x27: {  	[dreg:$0x3] =	wrdreg s2  }
0x28: {  	[dreg:$0x4] =	wrdreg $0x9  }
0x29: {  	_ =	task.clear_ibuf [dreg:s7], $0x5FFFF;
	_ =	strace $0x90000049  }
0x2a: {  	s29 =	simm.s32 $0x9;
	_ =	strace $0x8000004B  }
0x2b: {  	_ =	swait.ge [sflag:s29], $0x1  }
0x2c: {  	[sflag:s29] =	ssyncadd.s32 $0xFFFFFFFF  }
0x2d: {  	_ =	strace $0x9000004B  }
0x2e: {  	_ =	sfence  }
0x2f: {  	s30 =	sld [smem:$0x0];
	_ =	sdelay $0x2  }
0x30: {  	s31 =	sshll.u32 s1, $0xD;
	s1 =	sshrl.u32 s1, $0x2  }
0x31: {  	s3 =	sand.u32 $0x4000, s31;
	s1 =	sadd.s32 s1, s30  }
0x32: {  	s0 =	sor.u32 s3, s0;
	s1 =	sshll.u32 s1, $0x11  }
0x33: {  	s0 =	sor.u32 s1, s0  }
0x34: {  	s0 =	sadd.s32 $0x8F2B, s0  }
0x35: {  	[sflag:s0] =	ssyncadd.remote.s32 $0x1  }
0x36: {  	_ =	sfence.sel $0xFFFF  }
0x37: {  	[dreg:$0x0] =	wrdreg $0xFFFFFFFF;
	(pc) =	sbr.abs _section_cstart, $3  }
0x38: {  	[dreg:$0x1] =	wrdreg $0xFFFFFFFF  }
0x39: {  	_ =	task.clear_ibuf [dreg:s7], $0x2FFFF;
	_ =	strace $0x9FFFFFFF  }
0x3a: {  	(tm) =	ssettm $0x7FFFFFFF  }
0x3b: {  	_ =	shalt  }
tec
execute0_lowered:
.L_overlay_start_1:
0x0: {  	(tag) =	ssettag $0x1  }
0x1: {  	s0 =	srdreg.scid  }
0x2: {  	s1 =	sshll.u32 s0, $0x4  }
0x3: {  	s0 =	stileid.u32;
	s1 =	sand.u32 $0x10, s1  }
0x4: {  	s7 =	rddreg [dreg:$0x0];
	s1 =	sor.u32 s0, s1  }
0x5: {  	s4 =	simm.s32 $0x1;
	s8 =	simm.s32 $0x2;
	s2 =	sshll.u32 s1, $0x7  }
0x6: {  	s13 =	simm.s32 $0x0;
	s9 =	simm.s32 $0x20000;
	s1 =	ssub.s32 $0x4000, s2  }
0x7: {  	s14 =	simm.s32 $0x0;
	s11 =	simm.s32 $0x0;
	s3 =	sand.u32 $0xF80, s1  }
0x8: {  	s12 =	simm.s32 $0x0;
	s5 =	sshrl.u32 s1, $0xC;
	p0 =	sne.s32 s3, $0x0  }
.Ltmp0:
0x9: {  	s1 =	rddreg [dreg:$0x2];
	s4 =	simm.s32 @!p0 $0x0;
	(pc) =	sbr.rel .LBB1_1-.Ltmp0, $4  }
0xa: {  	s6 =	sadd.s32 $0xA00, s7;
	s3 =	rddreg [dreg:$0x1];
	s5 =	sadd.s32 s4, s5  }
0xb: {  	_ =	strace $0x8000004A;
	s4 =	simm.s32 $0x1;
	s5 =	smul.u32 $0x19, s5  }
0xc: {  	s7 =	sadd.s32 $0x40A00, s7;
	s10 =	smov.u32 s2;
	[sflag:s4] =	ssyncpa.u1 $0x0  }
0xd: {  	p0 =	por $0x0, $0x0;
	[sflag:s8] =	ssyncpa.u1 $0x0;
	s8 =	sadd.s32 $0x1, s5  }
.LBB1_7:
0xe: {  	s15 =	sadd.s32 $0x1000, s10  }
0xf: {  	s13 =	sadd.s32 $0x2, s11;
	s17 =	smov.u32 s11;
	p2 =	sgt.s32 s15, $0x3FFF  }
0x10: {  	s17 =	smov.u32 @p2 s13  }
0x11: {  	s15 =	smov.u32 @p2 s2;
	p2 =	sgt.s32 s17, $0x31  }
0x12: {  	s17 =	simm.s32 @p2 $0x0;
	p2 =	sne.s32 s12, s8  }
.Ltmp1:
0x13: {  	p1 =	slt.u32 s12, $0x2;
	(pc) =	sbr.rel @!p2 .LBB1_8-.Ltmp1, $4  }
0x14: {  	s16 =	simm.s32 @!p1 $0x2  }
0x15: {  	s14 =	smov.u32 s11;
	p0 =	por !p0, !p0;
	_ =	swait.ge @!p1 [sflag:s16], $0x2000  }
0x16: {  	s13 =	smov.u32 s10;
	[sflag:s16] =	ssyncset.done @!p1 $0x0;
	s10 =	smov.u32 s15  }
0x17: {  	s12 =	sadd.s32 $0x1, s12;
	[sflag:s16] =	ssyncadd.s32 @!p1 $0xFFFFE000;
	s11 =	smov.u32 s17  }
.LBB1_1:
0x18: {  	p1 =	sge.u32 s12, s5  }
0x19: {  	s15 =	sxor.u32 @!p1 $0xFFFFFFFF, s12;
	s16 =	sshll.u32 @!p1 s11, $0x12  }
0x1a: {  	s17 =	sshll.u32 @!p1 s10, $0x4;
	s19 =	simm.s32 @!p1 $0x20;
	s20 =	simm.s32 @!p1 $0x80  }
0x1b: {  	s15 =	sshll.u32 @!p1 s15, $0xD;
	s17 =	sand.u32 @!p1 $0x3FFF0, s17;
	s18 =	sadd.s32 @!p1 s6, s16  }
0x1c: {  	s16 =	sadd.s32 @!p1 s16, s7;
	s15 =	sand.u32 @!p1 $0x2000, s15;
	s18 =	sadd.s32 @!p1 s17, s18  }
0x1d: {  	[tilespmem:s15], [sflag:$0x1] =	stream.strided.gather @!p1 [hbm4b:s18+s19], $0x1000, s20, s19, $0x38;
	[tilespmem:$0x8080] =	vst v63  }
0x1e: {  	s31 =	sadd.s32 $0xFFFFFFFF, s12;
	s16 =	sadd.s32 @!p1 s17, s16;
	s15 =	sor.u32 @!p1 $0x1000, s15  }
0x1f: {  	[tilespmem:s15], [sflag:$0x1] =	stream.strided.gather @!p1 [hbm4b:s16+s19], $0x1000, s20, s19, $0x38;
	[tilespmem:$0x8080] =	vst v63  }
0x20: {  	p1 =	sge.u32 s31, s5  }
.Ltmp2:
0x21: {  	_ = 	snop;
	(pc) =	sbr.rel @p1 .LBB1_7-.Ltmp2, $1  }
0x22: {  	_ =	sdelay $0x3  }
0x23: {  	s15 =	simm.s32 $0x1;
	s17 =	sand.u32 $0x1, s12  }
0x24: {  	_ =	swait.ge [sflag:s4], $0x2000;
	s15 =	simm.s32 @!p0 $0x0;
	s17 =	smul.u32 $0x8100, s17  }
0x25: {  	p2 =	por $0x1, $0x1;
	[sflag:s4] =	ssyncset.done $0x0;
	s16 =	smul.u32 $0x8100, s15  }
0x26: {  	s18 =	sshll.u32 s15, $0xF;
	[sflag:s4] =	ssyncadd.s32 $0xFFFFE000;
	s30 =	sshrl.u32 s17, $0x2  }
0x27: {  	s31 =	sshrl.u32 s18, $0x2;
	s18 =	simm.s32 $0x0;
	s16 =	sshrl.u32 s16, $0x2  }
0x28: {  	s15 =	sor.u32 $0x4000, s30;
	s17 =	sadd.s32 $0x10, s31;
	s16 =	sor.u32 $0x4000, s16  }
.LBB1_3:
0x29: {  	s19 =	sshll.u32 s18, $0xC  }
0x2a: {  	s19 =	sand.u32 $0x3FFFF000, s19  }
0x2b: {  	s20 =	sadd.s32 s19, s17  }
0x2c: {  	s31 =	smul.u32 $0x4080, s18;
	v1 =	vld [tilespmem:s20+$0x0]  }
0x2d: {  	v0 =	vld [tilespmem:s20+$0xFFFFFFF0]  }
0x2e: {  	s18 =	sshra.s32 s31, $0x2  }
0x2f: {  	s18 =	sadd.s32 s18, s16  }
0x30: {  	s21 =	sadd.s32 $0x0, s18  }
0x31: {  	p1 =	por p2, p2;
	s19 =	simm.s32 $0x4;
	s20 =	sadd.s32 $0x20, s20;
	[tilespmem:s21+$0x810 ss:$0x81] =	vst.msk $0xffff, v1  }
.LBB1_4:
0x32: {  	v1 =	vld [tilespmem:s20+$0x0];
	p2 =	sne.s32 s19, $0x1FC;
	[tilespmem:s21+$0x0 ss:$0x81] =	vst.msk $0xffff, v0;
	s21 =	smov.u32 s19;
	s19 =	sadd.s32 $0x4, s19  }
.Ltmp3:
0x33: {  	v0 =	vld [tilespmem:s20+$0xFFFFFFF0];
	(pc) =	sbr.rel @p2 .LBB1_4-.Ltmp3, $4  }
0x34: {  	_ = 	snop  }
0x35: {  	s21 =	sshra.s32 s21, $0x2  }
0x36: {  	s21 =	sadd.s32 s21, s18  }
0x37: {  	s20 =	sadd.s32 $0x20, s20;
	[tilespmem:s21+$0x810 ss:$0x81] =	vst.msk $0xffff, v1  }
.Ltmp4:
0x38: {  	(pc) =	sbr.rel @p1 .LBB1_3-.Ltmp4, $2  }
0x39: {  	_ =	sdelay $0x2  }
0x3a: {  	[tilespmem:s21+$0x0 ss:$0x81] =	vst.msk $0xffff, v0;
	s18 =	simm.s32 $0x1;
	p2 =	por $0x0, $0x0  }
0x3b: {  	s16 =	sshll.u32 s13, $0x3;
	s17 =	sand.u32 $0x78, s13;
	s14 =	sshll.u32 s14, $0x10  }
.Ltmp5:
0x3c: {  	s30 =	sand.u32 $0xF800, s13;
	s16 =	sand.u32 $0x3C00, s16;
	(pc) =	sbr.rel .LBB1_7-.Ltmp5, $4  }
0x3d: {  	s31 =	sand.u32 $0x7, s13;
	s14 =	sadd.s32 s3, s14;
	s16 =	sor.u32 s17, s16  }
0x3e: {  	s13 =	sshll.u32 s31, $0x12;
	s14 =	sadd.s32 s30, s14;
	s16 =	sshrl.u32 s16, $0x3  }
0x3f: {  	s13 =	sor.u32 $0x400, s13;
	s14 =	sadd.s32 s16, s14  }
0x40: {  	[hbm4b:s14+s13] =	stream.strided.scatter [tilespmem:s15], [sflag:$0x2], $0x2000, s9, s13, $0x20;
	[tilespmem:$0x8080] =	vst v63  }
.LBB1_8:
0x41: {  	_ =	sfence.sel $0x180000  }
0x42: {  	s2 =	simm.s32 $0x1;
	[bflag:$0x0] =	sbarrier.arrive $0xFFFF  }
0x43: {  	s31 =	simm.s32 $0x2;
	[sflag:s2] =	ssyncpa.u1 $0x1  }
0x44: {  	[sflag:s31] =	ssyncpa.u1 $0x1  }
0x45: {  	p0 =	sne.s32 s0, $0x0;
	_ =	strace $0x9000004A  }
0x46: {  	s0 =	sadd.s32 @!p0 $0x100000, s1;
	[bflag:$0x2] =	sbarrier.arrive $0xFFFF  }
0x47: {  	[sflag:s0] =	ssyncadd.tile.s32 @!p0 $0x1;
	_ =	shalt  }
.Lfunc_end1:
_tile_overlayer_lowered:
.L_overlay_start_2:
0x48: {  	(tag) =	ssettag $0x2  }
0x49: {  	s0 =	rddreg [dreg:$0x0];
	s2 =	stileid.u32  }
0x4a: {  	s1 =	rddreg [dreg:$0x1];
	p0 =	sne.s32 s2, $0x0  }
0x4b: {  	s3 =	rddreg [dreg:$0x2];
	[bflag:$0x3] =	sbarrier.arrive $0xFFFF;
	s2 =	simm.s32 @!p0 $0x1C01  }
0x4c: {  	[timem:s3], [sflag:s2] =	dma.local @!p0 [hbm:s0], s1  }
0x4d: {  	s0 =	simm.s32 @!p0 $0x1  }
0x4e: {  	_ =	swait.ge @!p0 [sflag:s0], s1  }
0x4f: {  	s1 =	ssub.s32 @!p0 $0x0, s1;
	[sflag:s0] =	ssyncset.done @!p0 $0x0  }
0x50: {  	[sflag:s0] =	ssyncadd.s32 @!p0 s1  }
0x51: {  	[bflag:$0x3] =	sbarrier.arrive $0xFFFF  }
0x52: {  	_ =	shalt  }

</sc_bundles>
